<compile_context>
chip_gen: v7x
topology: tpu7x:2x2x1
jax: 0.10.2.dev20260603
libtpu: 0.0.44.dev20260713+nightly
codegen_flags: <defaults>
</compile_context>

<pallas_src>
import functools

import jax
import jax.numpy as jnp
from jax import lax
from jax.experimental import pallas as pl
from jax.experimental.pallas import tpu as pltpu
from jax.experimental.pallas import tpu_sc as plsc

_NC = 2
_NS = 16
_NW = _NC * _NS
_L = 16

_A = 4096
_P = 26
_S = 20
_C = _P * _S
_B = _A * _C
_D = 64
_AB = _A // _NW
_NG = _AB // _L

_ZROW = 42
_VPAD = 48


@functools.partial(
    pl.kernel,
    out_type=(
        jax.ShapeDtypeStruct((_P, _S, _D, _A), jnp.float32),
        jax.ShapeDtypeStruct((_P, _S, _A), jnp.int32),
    ),
    mesh=plsc.VectorSubcoreMesh(core_axis_name="c", subcore_axis_name="s"),
    compiler_params=pltpu.CompilerParams(use_tc_tiling_on_sc=True,
                                         needs_layout_passes=False),
    scratch_types=[
        pltpu.VMEM((_D * _VPAD,), jnp.float32),
        pltpu.VMEM((_AB * _C,), jnp.int32),
        pltpu.VMEM((2, _D, _AB), jnp.float32),
        pltpu.VMEM((2, _AB), jnp.int32),
        pltpu.SemaphoreType.DMA,
        pltpu.SemaphoreType.DMA,
        pltpu.SemaphoreType.DMA,
        pltpu.SemaphoreType.DMA,
    ],
)
def _emb_lookup(tablet_hbm, labels_hbm, out_hbm, mask_hbm,
                tablet_v, labels_v, tile_v, maskv,
                osem0, osem1, msem0, msem1):
    cid = lax.axis_index("c")
    sid = lax.axis_index("s")
    wid = sid * _NC + cid
    a0 = wid * _AB

    pltpu.sync_copy(tablet_hbm, tablet_v)
    pltpu.sync_copy(labels_hbm.at[pl.ds(a0 * _C, _AB * _C)], labels_v)

    osems = (osem0, osem1)
    msems = (msem0, msem1)
    iota_stride = lax.iota(jnp.int32, _L) * _C

    def fire_tile(p, s, eb):
        pltpu.async_copy(tile_v.at[eb],
                         out_hbm.at[p, s, pl.ds(0, _D), pl.ds(a0, _AB)],
                         osems[eb])

    def wait_tile(p, s, eb):
        pltpu.make_async_copy(tile_v.at[eb],
                              out_hbm.at[p, s, pl.ds(0, _D), pl.ds(a0, _AB)],
                              osems[eb]).wait()

    def item(p, s, eb):
        t = p * _S + s

        @pl.when(t >= 2)
        def _():
            wait_tile(p, s, eb)
            wait_mask(p, s, eb)

        fixed_groups = []
        for g in range(_NG):
            base = (g * _L) * _C + p * _S + s
            lab = plsc.load_gather(
                labels_v, [iota_stride + jnp.full((_L,), base, jnp.int32)])
            is_pad = lab == jnp.full((_L,), -1, jnp.int32)
            msk = jnp.where(is_pad, jnp.zeros((_L,), jnp.int32),
                            jnp.ones((_L,), jnp.int32))
            fixed_groups.append(
                jnp.where(is_pad, jnp.full((_L,), _ZROW, jnp.int32), lab))
            maskv[eb, pl.ds(g * _L, _L)] = msk

        @plsc.parallel_loop(0, _D, unroll=8)
        def _(d):
            col = d * _VPAD
            for g in range(_NG):
                emb = plsc.load_gather(
                    tablet_v,
                    [fixed_groups[g] + jnp.full((_L,), col, jnp.int32)])
                tile_v[eb, d, pl.ds(g * _L, _L)] = emb

        fire_tile(p, s, eb)
        fire_mask(p, s, eb)

    def fire_mask(p, s, eb):
        pltpu.async_copy(maskv.at[eb],
                         mask_hbm.at[p, s, pl.ds(a0, _AB)], msems[eb])

    def wait_mask(p, s, eb):
        pltpu.make_async_copy(maskv.at[eb],
                              mask_hbm.at[p, s, pl.ds(a0, _AB)],
                              msems[eb]).wait()

    def plane(p):
        def s_pair(u, carry):
            item(p, 2 * u, 0)
            item(p, 2 * u + 1, 1)
            return carry

        lax.fori_loop(0, _S // 2, s_pair, 0)

    def p_body(p, carry):
        plane(p)
        return carry

    lax.fori_loop(0, _P, p_body, 0)
    wait_tile(_P - 1, _S - 2, 0)
    wait_tile(_P - 1, _S - 1, 1)
    wait_mask(_P - 1, _S - 2, 0)
    wait_mask(_P - 1, _S - 1, 1)


def kernel(output, action_emb):
    labels = output[0].reshape(_B)
    table = jnp.concatenate(
        [action_emb, jnp.zeros((_VPAD - action_emb.shape[0], _D), jnp.float32)])
    tablet = jnp.transpose(table).reshape(_D * _VPAD)
    emb_t, mask_t = _emb_lookup(tablet, labels)
    return (jnp.transpose(emb_t, (3, 0, 1, 2)), jnp.transpose(mask_t, (2, 0, 1)))

# --- scband reference (transcript-rebuilt; emitter-appended) ---
"""Pipeline reference for scband-segment-embedding-18700287607329 (READ-ONLY COPY).

The authoritative reference and input builder live on the scoring server;
editing this copy changes nothing except your own understanding.
"""

import jax, jax.numpy as jnp
import numpy as np


def setup_inputs(seed: int = 0) -> dict:
    key = jax.random.key(seed)
    k1, k2 = jax.random.split(key)
    # output packs (output_labels, output_duration) along dim 0: output[0], output[1]
    output = jax.random.randint(k1, (2, 4096, 26, 20), 0, 42, dtype=jnp.int32)
    # learned embedding table: nn.Embedding(40 + 2, 64)
    action_emb = jax.random.normal(k2, (42, 64), dtype=jnp.float32)
    return {"output": output, "action_emb": action_emb}


def reference(output, action_emb):
    output_labels = output[0]
    # output_duration = output[1]  # unused by the module's forward
    # mask_labels = ones_like; mask_labels[output_labels == -1] = 0
    mask_labels = jnp.where(output_labels == -1, 0, 1).astype(output_labels.dtype)
    idx = output_labels * mask_labels
    tgt_emb = jnp.take(action_emb, idx, axis=0) * mask_labels[..., None].astype(jnp.float32)
    return (tgt_emb, mask_labels)

if __name__ == "__main__":
    import jax
    _d = setup_inputs()
    print(jax.jit(kernel)(*tuple(_d.values())))

</pallas_src>

<mosaic_0001>
#map = affine_map<(d0, d1) -> (0)>
#map1 = affine_map<(d0, d1) -> (0, 0, 0, 0)>
#map2 = affine_map<(d0, d1) -> (0, 0, 0)>
module attributes {stable_mosaic.version = 14 : i64} {
  func.func @_emb_lookup(%arg0: i32, %arg1: i32, %arg2: memref<3072xf32, #tpu.memory_space<hbm>>, %arg3: memref<2129920xi32, #tpu.memory_space<hbm>>, %arg4: memref<26x20x64x4096xf32, #tpu.memory_space<hbm>>, %arg5: memref<26x20x4096xi32, #tpu.memory_space<hbm>>, %arg6: memref<3072xf32, #tpu.memory_space<vmem>>, %arg7: memref<66560xi32, #tpu.memory_space<vmem>>, %arg8: memref<2x64x128xf32, #tpu.memory_space<vmem>>, %arg9: memref<2x128xi32, #tpu.memory_space<vmem>>, %arg10: memref<!tpu.dma_semaphore, #tpu.memory_space<semaphore_mem>>, %arg11: memref<!tpu.dma_semaphore, #tpu.memory_space<semaphore_mem>>, %arg12: memref<!tpu.dma_semaphore, #tpu.memory_space<semaphore_mem>>, %arg13: memref<!tpu.dma_semaphore, #tpu.memory_space<semaphore_mem>>) attributes {dimension_semantics = [#tpu.dimension_semantics<core_parallel>, #tpu.dimension_semantics<subcore_parallel>], iteration_bounds = array<i64: 2, 16>, scalar_prefetch = 0 : i64, scratch_operands = 8 : i64, tpu.core_type = #tpu.core_type<sc_vector_subcore>, window_params = [{transform_indices = #map}, {transform_indices = #map}, {transform_indices = #map1}, {transform_indices = #map2}]} {
    %mul3A = arith.constant 2 : i32
    %mul3A_0 = arith.muli %arg1, %mul3A : i32
    %add3A = arith.addi %mul3A_0, %arg0 : i32
    %mul3A_1 = arith.constant 128 : i32
    %mul3A_2 = arith.muli %add3A, %mul3A_1 : i32
    "tpu.region"() ({
      %run_scoped3A = tpu.sem_alloc : memref<!tpu.dma_semaphore, #tpu.memory_space<semaphore_mem>>
      tpu.enqueue_dma source(%arg2 : memref<3072xf32, #tpu.memory_space<hbm>>) target(%arg6 : memref<3072xf32, #tpu.memory_space<vmem>>) target_semaphore(%run_scoped3A : memref<!tpu.dma_semaphore, #tpu.memory_space<semaphore_mem>>)
      tpu.wait_dma2 semaphore(%run_scoped3A : memref<!tpu.dma_semaphore, #tpu.memory_space<semaphore_mem>>) src(%arg2 : memref<3072xf32, #tpu.memory_space<hbm>>) dst(%arg6 : memref<3072xf32, #tpu.memory_space<vmem>>)
      tpu.yield
    }) : () -> ()
    %mul3A_3 = arith.constant 520 : i32
    %mul3A_4 = arith.muli %mul3A_2, %mul3A_3 : i32
    "tpu.region"() ({
      %run_scoped3A = tpu.sem_alloc : memref<!tpu.dma_semaphore, #tpu.memory_space<semaphore_mem>>
      %dma_start3A = tpu.memref_slice %arg3[%mul3A_4] : memref<2129920xi32, #tpu.memory_space<hbm>> -> memref<66560xi32, #tpu.memory_space<hbm>>
      %dma_start3A_72 = tpu.memref_slice %arg3[%mul3A_4] : memref<2129920xi32, #tpu.memory_space<hbm>> -> memref<66560xi32, #tpu.memory_space<hbm>>
      tpu.enqueue_dma source(%dma_start3A_72 : memref<66560xi32, #tpu.memory_space<hbm>>) target(%arg7 : memref<66560xi32, #tpu.memory_space<vmem>>) target_semaphore(%run_scoped3A : memref<!tpu.dma_semaphore, #tpu.memory_space<semaphore_mem>>)
      %dma_wait3A_73 = tpu.memref_slice %arg3[%mul3A_4] : memref<2129920xi32, #tpu.memory_space<hbm>> -> memref<66560xi32, #tpu.memory_space<hbm>>
      %dma_wait3A_74 = tpu.memref_slice %arg3[%mul3A_4] : memref<2129920xi32, #tpu.memory_space<hbm>> -> memref<66560xi32, #tpu.memory_space<hbm>>
      tpu.wait_dma2 semaphore(%run_scoped3A : memref<!tpu.dma_semaphore, #tpu.memory_space<semaphore_mem>>) src(%dma_wait3A_74 : memref<66560xi32, #tpu.memory_space<hbm>>) dst(%arg7 : memref<66560xi32, #tpu.memory_space<vmem>>)
      tpu.yield
    }) : () -> ()
    %iota3A = tpu.iota {dimensions = array<i32: 0>} : vector<16xi32>
    %mul3A_5 = arith.constant 520 : i32
    %mul3A_6 = vector.broadcast %mul3A_5 : i32 to vector<16xi32>
    %mul3A_7 = arith.muli %iota3A, %mul3A_6 : vector<16xi32>
    %scan3A = arith.constant 0 : i32
    %scan3A_8 = arith.constant 0 : i32
    %scan3A_9 = arith.constant 26 : i32
    %scan3A_10 = arith.addi %scan3A_8, %scan3A_9 : i32
    %scan3A_11 = arith.constant 1 : i32
    scf.for %scan3A_72 = %scan3A_8 to %scan3A_10 step %scan3A_11  : i32 {
      %scan3A_73 = arith.constant 0 : i32
      %scan3A_74 = arith.constant 0 : i32
      %scan3A_75 = arith.constant 10 : i32
      %scan3A_76 = arith.addi %scan3A_74, %scan3A_75 : i32
      %scan3A_77 = arith.constant 1 : i32
      scf.for %scan3A_79 = %scan3A_74 to %scan3A_76 step %scan3A_77  : i32 {
        %mul3A_80 = arith.constant 2 : i32
        %mul3A_81 = arith.muli %mul3A_80, %scan3A_79 : i32
        %mul3A_82 = arith.constant 20 : i32
        %mul3A_83 = arith.muli %scan3A_72, %mul3A_82 : i32
        %add3A_84 = arith.addi %mul3A_83, %mul3A_81 : i32
        %ge3A = arith.constant 2 : i32
        %ge3A_85 = arith.cmpi sge, %add3A_84, %ge3A : i32
        %convert_element_type3A = arith.extui %ge3A_85 : i1 to i32
        %cond3A = arith.constant 0 : i32
        %cond3A_86 = arith.cmpi ne, %convert_element_type3A, %cond3A : i32
        scf.if %cond3A_86 {
          %dma_wait3A_518 = arith.constant 0 : i32
          %dma_wait3A_519 = arith.constant 0 : i32
          %dma_wait3A_520 = arith.constant 0 : i32
          %dma_wait3A_521 = tpu.memref_slice %arg8[%dma_wait3A_518, %dma_wait3A_519, %dma_wait3A_520] : memref<2x64x128xf32, #tpu.memory_space<vmem>> -> memref<1x64x128xf32, #tpu.memory_space<vmem>>
          %dma_wait3A_522 = tpu.memref_squeeze %dma_wait3A_521 : memref<1x64x128xf32, #tpu.memory_space<vmem>> -> memref<64x128xf32, #tpu.memory_space<vmem>>
          %dma_wait3A_523 = arith.constant 0 : i32
          %dma_wait3A_524 = tpu.memref_slice %arg4[%scan3A_72, %mul3A_81, %dma_wait3A_523, %mul3A_2] : memref<26x20x64x4096xf32, #tpu.memory_space<hbm>> -> memref<1x1x64x128xf32, #tpu.memory_space<hbm>>
          %dma_wait3A_525 = tpu.memref_squeeze %dma_wait3A_524 : memref<1x1x64x128xf32, #tpu.memory_space<hbm>> -> memref<64x128xf32, #tpu.memory_space<hbm>>
          %dma_wait3A_526 = arith.constant 0 : i32
          %dma_wait3A_527 = tpu.memref_slice %arg4[%scan3A_72, %mul3A_81, %dma_wait3A_526, %mul3A_2] : memref<26x20x64x4096xf32, #tpu.memory_space<hbm>> -> memref<1x1x64x128xf32, #tpu.memory_space<hbm>>
          %dma_wait3A_528 = tpu.memref_squeeze %dma_wait3A_527 : memref<1x1x64x128xf32, #tpu.memory_space<hbm>> -> memref<64x128xf32, #tpu.memory_space<hbm>>
          %dma_wait3A_529 = arith.constant 0 : i32
          %dma_wait3A_530 = arith.constant 0 : i32
          %dma_wait3A_531 = tpu.memref_slice %arg8[%dma_wait3A_518, %dma_wait3A_529, %dma_wait3A_530] : memref<2x64x128xf32, #tpu.memory_space<vmem>> -> memref<1x64x128xf32, #tpu.memory_space<vmem>>
          %dma_wait3A_532 = tpu.memref_squeeze %dma_wait3A_531 : memref<1x64x128xf32, #tpu.memory_space<vmem>> -> memref<64x128xf32, #tpu.memory_space<vmem>>
          tpu.wait_dma2 semaphore(%arg10 : memref<!tpu.dma_semaphore, #tpu.memory_space<semaphore_mem>>) src(%dma_wait3A_532 : memref<64x128xf32, #tpu.memory_space<vmem>>) dst(%dma_wait3A_528 : memref<64x128xf32, #tpu.memory_space<hbm>>)
          %dma_wait3A_533 = arith.constant 0 : i32
          %dma_wait3A_534 = arith.constant 0 : i32
          %dma_wait3A_535 = tpu.memref_slice %arg9[%dma_wait3A_533, %dma_wait3A_534] : memref<2x128xi32, #tpu.memory_space<vmem>> -> memref<1x128xi32, #tpu.memory_space<vmem>>
          %dma_wait3A_536 = tpu.memref_squeeze %dma_wait3A_535 : memref<1x128xi32, #tpu.memory_space<vmem>> -> memref<128xi32, #tpu.memory_space<vmem>>
          %dma_wait3A_537 = tpu.memref_slice %arg5[%scan3A_72, %mul3A_81, %mul3A_2] : memref<26x20x4096xi32, #tpu.memory_space<hbm>> -> memref<1x1x128xi32, #tpu.memory_space<hbm>>
          %dma_wait3A_538 = tpu.memref_squeeze %dma_wait3A_537 : memref<1x1x128xi32, #tpu.memory_space<hbm>> -> memref<128xi32, #tpu.memory_space<hbm>>
          %dma_wait3A_539 = tpu.memref_slice %arg5[%scan3A_72, %mul3A_81, %mul3A_2] : memref<26x20x4096xi32, #tpu.memory_space<hbm>> -> memref<1x1x128xi32, #tpu.memory_space<hbm>>
          %dma_wait3A_540 = tpu.memref_squeeze %dma_wait3A_539 : memref<1x1x128xi32, #tpu.memory_space<hbm>> -> memref<128xi32, #tpu.memory_space<hbm>>
          %dma_wait3A_541 = arith.constant 0 : i32
          %dma_wait3A_542 = tpu.memref_slice %arg9[%dma_wait3A_533, %dma_wait3A_541] : memref<2x128xi32, #tpu.memory_space<vmem>> -> memref<1x128xi32, #tpu.memory_space<vmem>>
          %dma_wait3A_543 = tpu.memref_squeeze %dma_wait3A_542 : memref<1x128xi32, #tpu.memory_space<vmem>> -> memref<128xi32, #tpu.memory_space<vmem>>
          tpu.wait_dma2 semaphore(%arg12 : memref<!tpu.dma_semaphore, #tpu.memory_space<semaphore_mem>>) src(%dma_wait3A_543 : memref<128xi32, #tpu.memory_space<vmem>>) dst(%dma_wait3A_540 : memref<128xi32, #tpu.memory_space<hbm>>)
        } else {
        }
        %mul3A_87 = arith.constant 20 : i32
        %mul3A_88 = arith.muli %scan3A_72, %mul3A_87 : i32
        %add3A_89 = arith.constant 0 : i32
        %add3A_90 = arith.addi %add3A_89, %mul3A_88 : i32
        %add3A_91 = arith.addi %add3A_90, %mul3A_81 : i32
        %broadcast_in_dim3A = vector.broadcast %add3A_91 : i32 to vector<16xi32>
        %add3A_92 = arith.addi %mul3A_7, %broadcast_in_dim3A : vector<16xi32>
        %gather3A = tpu.vector_load_idx %arg7[%add3A_92] : memref<66560xi32, #tpu.memory_space<vmem>>[vector<16xi32>], vector<16xi32>,
        %broadcast_in_dim3A_93 = arith.constant -1 : i32
        %broadcast_in_dim3A_94 = vector.broadcast %broadcast_in_dim3A_93 : i32 to vector<16xi32>
        %eq3A = arith.cmpi eq, %gather3A, %broadcast_in_dim3A_94 : vector<16xi32>
        %broadcast_in_dim3A_95 = arith.constant 0 : i32
        %broadcast_in_dim3A_96 = vector.broadcast %broadcast_in_dim3A_95 : i32 to vector<16xi32>
        %broadcast_in_dim3A_97 = arith.constant 1 : i32
        %broadcast_in_dim3A_98 = vector.broadcast %broadcast_in_dim3A_97 : i32 to vector<16xi32>
        %select_n3A = arith.select %eq3A, %broadcast_in_dim3A_96, %broadcast_in_dim3A_98 : vector<16xi1>, vector<16xi32>
        %broadcast_in_dim3A_99 = arith.constant 42 : i32
        %broadcast_in_dim3A_100 = vector.broadcast %broadcast_in_dim3A_99 : i32 to vector<16xi32>
        %select_n3A_101 = arith.select %eq3A, %broadcast_in_dim3A_100, %gather3A : vector<16xi1>, vector<16xi32>
        %swap3A = arith.constant 0 : i32
        %swap3A_102 = arith.index_cast %swap3A : i32 to index
        %swap3A_103 = arith.constant 0 : index
        %swap3A_104 = tpu.vector_load %arg9[%swap3A_102, %swap3A_103] {strides = array<i32>} : memref<2x128xi32, #tpu.memory_space<vmem>>, vector<16xi32>,
        tpu.vector_store %arg9[%swap3A_102, %swap3A_103], %select_n3A {strides = array<i32>} : memref<2x128xi32, #tpu.memory_space<vmem>>, vector<16xi32>,
        %mul3A_105 = arith.constant 20 : i32
        %mul3A_106 = arith.muli %scan3A_72, %mul3A_105 : i32
        %add3A_107 = arith.constant 8320 : i32
        %add3A_108 = arith.addi %add3A_107, %mul3A_106 : i32
        %add3A_109 = arith.addi %add3A_108, %mul3A_81 : i32
        %broadcast_in_dim3A_110 = vector.broadcast %add3A_109 : i32 to vector<16xi32>
        %add3A_111 = arith.addi %mul3A_7, %broadcast_in_dim3A_110 : vector<16xi32>
        %gather3A_112 = tpu.vector_load_idx %arg7[%add3A_111] : memref<66560xi32, #tpu.memory_space<vmem>>[vector<16xi32>], vector<16xi32>,
        %broadcast_in_dim3A_113 = arith.constant -1 : i32
        %broadcast_in_dim3A_114 = vector.broadcast %broadcast_in_dim3A_113 : i32 to vector<16xi32>
        %eq3A_115 = arith.cmpi eq, %gather3A_112, %broadcast_in_dim3A_114 : vector<16xi32>
        %broadcast_in_dim3A_116 = arith.constant 0 : i32
        %broadcast_in_dim3A_117 = vector.broadcast %broadcast_in_dim3A_116 : i32 to vector<16xi32>
        %broadcast_in_dim3A_118 = arith.constant 1 : i32
        %broadcast_in_dim3A_119 = vector.broadcast %broadcast_in_dim3A_118 : i32 to vector<16xi32>
        %select_n3A_120 = arith.select %eq3A_115, %broadcast_in_dim3A_117, %broadcast_in_dim3A_119 : vector<16xi1>, vector<16xi32>
        %broadcast_in_dim3A_121 = arith.constant 42 : i32
        %broadcast_in_dim3A_122 = vector.broadcast %broadcast_in_dim3A_121 : i32 to vector<16xi32>
        %select_n3A_123 = arith.select %eq3A_115, %broadcast_in_dim3A_122, %gather3A_112 : vector<16xi1>, vector<16xi32>
        %swap3A_124 = arith.constant 0 : i32
        %swap3A_125 = arith.index_cast %swap3A_124 : i32 to index
        %swap3A_126 = arith.constant 16 : index
        %swap3A_127 = tpu.vector_load %arg9[%swap3A_125, %swap3A_126] {strides = array<i32>} : memref<2x128xi32, #tpu.memory_space<vmem>>, vector<16xi32>,
        tpu.vector_store %arg9[%swap3A_125, %swap3A_126], %select_n3A_120 {strides = array<i32>} : memref<2x128xi32, #tpu.memory_space<vmem>>, vector<16xi32>,
        %mul3A_128 = arith.constant 20 : i32
        %mul3A_129 = arith.muli %scan3A_72, %mul3A_128 : i32
        %add3A_130 = arith.constant 16640 : i32
        %add3A_131 = arith.addi %add3A_130, %mul3A_129 : i32
        %add3A_132 = arith.addi %add3A_131, %mul3A_81 : i32
        %broadcast_in_dim3A_133 = vector.broadcast %add3A_132 : i32 to vector<16xi32>
        %add3A_134 = arith.addi %mul3A_7, %broadcast_in_dim3A_133 : vector<16xi32>
        %gather3A_135 = tpu.vector_load_idx %arg7[%add3A_134] : memref<66560xi32, #tpu.memory_space<vmem>>[vector<16xi32>], vector<16xi32>,
        %broadcast_in_dim3A_136 = arith.constant -1 : i32
        %broadcast_in_dim3A_137 = vector.broadcast %broadcast_in_dim3A_136 : i32 to vector<16xi32>
        %eq3A_138 = arith.cmpi eq, %gather3A_135, %broadcast_in_dim3A_137 : vector<16xi32>
        %broadcast_in_dim3A_139 = arith.constant 0 : i32
        %broadcast_in_dim3A_140 = vector.broadcast %broadcast_in_dim3A_139 : i32 to vector<16xi32>
        %broadcast_in_dim3A_141 = arith.constant 1 : i32
        %broadcast_in_dim3A_142 = vector.broadcast %broadcast_in_dim3A_141 : i32 to vector<16xi32>
        %select_n3A_143 = arith.select %eq3A_138, %broadcast_in_dim3A_140, %broadcast_in_dim3A_142 : vector<16xi1>, vector<16xi32>
        %broadcast_in_dim3A_144 = arith.constant 42 : i32
        %broadcast_in_dim3A_145 = vector.broadcast %broadcast_in_dim3A_144 : i32 to vector<16xi32>
        %select_n3A_146 = arith.select %eq3A_138, %broadcast_in_dim3A_145, %gather3A_135 : vector<16xi1>, vector<16xi32>
        %swap3A_147 = arith.constant 0 : i32
        %swap3A_148 = arith.index_cast %swap3A_147 : i32 to index
        %swap3A_149 = arith.constant 32 : index
        %swap3A_150 = tpu.vector_load %arg9[%swap3A_148, %swap3A_149] {strides = array<i32>} : memref<2x128xi32, #tpu.memory_space<vmem>>, vector<16xi32>,
        tpu.vector_store %arg9[%swap3A_148, %swap3A_149], %select_n3A_143 {strides = array<i32>} : memref<2x128xi32, #tpu.memory_space<vmem>>, vector<16xi32>,
        %mul3A_151 = arith.constant 20 : i32
        %mul3A_152 = arith.muli %scan3A_72, %mul3A_151 : i32
        %add3A_153 = arith.constant 24960 : i32
        %add3A_154 = arith.addi %add3A_153, %mul3A_152 : i32
        %add3A_155 = arith.addi %add3A_154, %mul3A_81 : i32
        %broadcast_in_dim3A_156 = vector.broadcast %add3A_155 : i32 to vector<16xi32>
        %add3A_157 = arith.addi %mul3A_7, %broadcast_in_dim3A_156 : vector<16xi32>
        %gather3A_158 = tpu.vector_load_idx %arg7[%add3A_157] : memref<66560xi32, #tpu.memory_space<vmem>>[vector<16xi32>], vector<16xi32>,
        %broadcast_in_dim3A_159 = arith.constant -1 : i32
        %broadcast_in_dim3A_160 = vector.broadcast %broadcast_in_dim3A_159 : i32 to vector<16xi32>
        %eq3A_161 = arith.cmpi eq, %gather3A_158, %broadcast_in_dim3A_160 : vector<16xi32>
        %broadcast_in_dim3A_162 = arith.constant 0 : i32
        %broadcast_in_dim3A_163 = vector.broadcast %broadcast_in_dim3A_162 : i32 to vector<16xi32>
        %broadcast_in_dim3A_164 = arith.constant 1 : i32
        %broadcast_in_dim3A_165 = vector.broadcast %broadcast_in_dim3A_164 : i32 to vector<16xi32>
        %select_n3A_166 = arith.select %eq3A_161, %broadcast_in_dim3A_163, %broadcast_in_dim3A_165 : vector<16xi1>, vector<16xi32>
        %broadcast_in_dim3A_167 = arith.constant 42 : i32
        %broadcast_in_dim3A_168 = vector.broadcast %broadcast_in_dim3A_167 : i32 to vector<16xi32>
        %select_n3A_169 = arith.select %eq3A_161, %broadcast_in_dim3A_168, %gather3A_158 : vector<16xi1>, vector<16xi32>
        %swap3A_170 = arith.constant 0 : i32
        %swap3A_171 = arith.index_cast %swap3A_170 : i32 to index
        %swap3A_172 = arith.constant 48 : index
        %swap3A_173 = tpu.vector_load %arg9[%swap3A_171, %swap3A_172] {strides = array<i32>} : memref<2x128xi32, #tpu.memory_space<vmem>>, vector<16xi32>,
        tpu.vector_store %arg9[%swap3A_171, %swap3A_172], %select_n3A_166 {strides = array<i32>} : memref<2x128xi32, #tpu.memory_space<vmem>>, vector<16xi32>,
        %mul3A_174 = arith.constant 20 : i32
        %mul3A_175 = arith.muli %scan3A_72, %mul3A_174 : i32
        %add3A_176 = arith.constant 33280 : i32
        %add3A_177 = arith.addi %add3A_176, %mul3A_175 : i32
        %add3A_178 = arith.addi %add3A_177, %mul3A_81 : i32
        %broadcast_in_dim3A_179 = vector.broadcast %add3A_178 : i32 to vector<16xi32>
        %add3A_180 = arith.addi %mul3A_7, %broadcast_in_dim3A_179 : vector<16xi32>
        %gather3A_181 = tpu.vector_load_idx %arg7[%add3A_180] : memref<66560xi32, #tpu.memory_space<vmem>>[vector<16xi32>], vector<16xi32>,
        %broadcast_in_dim3A_182 = arith.constant -1 : i32
        %broadcast_in_dim3A_183 = vector.broadcast %broadcast_in_dim3A_182 : i32 to vector<16xi32>
        %eq3A_184 = arith.cmpi eq, %gather3A_181, %broadcast_in_dim3A_183 : vector<16xi32>
        %broadcast_in_dim3A_185 = arith.constant 0 : i32
        %broadcast_in_dim3A_186 = vector.broadcast %broadcast_in_dim3A_185 : i32 to vector<16xi32>
        %broadcast_in_dim3A_187 = arith.constant 1 : i32
        %broadcast_in_dim3A_188 = vector.broadcast %broadcast_in_dim3A_187 : i32 to vector<16xi32>
        %select_n3A_189 = arith.select %eq3A_184, %broadcast_in_dim3A_186, %broadcast_in_dim3A_188 : vector<16xi1>, vector<16xi32>
        %broadcast_in_dim3A_190 = arith.constant 42 : i32
        %broadcast_in_dim3A_191 = vector.broadcast %broadcast_in_dim3A_190 : i32 to vector<16xi32>
        %select_n3A_192 = arith.select %eq3A_184, %broadcast_in_dim3A_191, %gather3A_181 : vector<16xi1>, vector<16xi32>
        %swap3A_193 = arith.constant 0 : i32
        %swap3A_194 = arith.index_cast %swap3A_193 : i32 to index
        %swap3A_195 = arith.constant 64 : index
        %swap3A_196 = tpu.vector_load %arg9[%swap3A_194, %swap3A_195] {strides = array<i32>} : memref<2x128xi32, #tpu.memory_space<vmem>>, vector<16xi32>,
        tpu.vector_store %arg9[%swap3A_194, %swap3A_195], %select_n3A_189 {strides = array<i32>} : memref<2x128xi32, #tpu.memory_space<vmem>>, vector<16xi32>,
        %mul3A_197 = arith.constant 20 : i32
        %mul3A_198 = arith.muli %scan3A_72, %mul3A_197 : i32
        %add3A_199 = arith.constant 41600 : i32
        %add3A_200 = arith.addi %add3A_199, %mul3A_198 : i32
        %add3A_201 = arith.addi %add3A_200, %mul3A_81 : i32
        %broadcast_in_dim3A_202 = vector.broadcast %add3A_201 : i32 to vector<16xi32>
        %add3A_203 = arith.addi %mul3A_7, %broadcast_in_dim3A_202 : vector<16xi32>
        %gather3A_204 = tpu.vector_load_idx %arg7[%add3A_203] : memref<66560xi32, #tpu.memory_space<vmem>>[vector<16xi32>], vector<16xi32>,
        %broadcast_in_dim3A_205 = arith.constant -1 : i32
        %broadcast_in_dim3A_206 = vector.broadcast %broadcast_in_dim3A_205 : i32 to vector<16xi32>
        %eq3A_207 = arith.cmpi eq, %gather3A_204, %broadcast_in_dim3A_206 : vector<16xi32>
        %broadcast_in_dim3A_208 = arith.constant 0 : i32
        %broadcast_in_dim3A_209 = vector.broadcast %broadcast_in_dim3A_208 : i32 to vector<16xi32>
        %broadcast_in_dim3A_210 = arith.constant 1 : i32
        %broadcast_in_dim3A_211 = vector.broadcast %broadcast_in_dim3A_210 : i32 to vector<16xi32>
        %select_n3A_212 = arith.select %eq3A_207, %broadcast_in_dim3A_209, %broadcast_in_dim3A_211 : vector<16xi1>, vector<16xi32>
        %broadcast_in_dim3A_213 = arith.constant 42 : i32
        %broadcast_in_dim3A_214 = vector.broadcast %broadcast_in_dim3A_213 : i32 to vector<16xi32>
        %select_n3A_215 = arith.select %eq3A_207, %broadcast_in_dim3A_214, %gather3A_204 : vector<16xi1>, vector<16xi32>
        %swap3A_216 = arith.constant 0 : i32
        %swap3A_217 = arith.index_cast %swap3A_216 : i32 to index
        %swap3A_218 = arith.constant 80 : index
        %swap3A_219 = tpu.vector_load %arg9[%swap3A_217, %swap3A_218] {strides = array<i32>} : memref<2x128xi32, #tpu.memory_space<vmem>>, vector<16xi32>,
        tpu.vector_store %arg9[%swap3A_217, %swap3A_218], %select_n3A_212 {strides = array<i32>} : memref<2x128xi32, #tpu.memory_space<vmem>>, vector<16xi32>,
        %mul3A_220 = arith.constant 20 : i32
        %mul3A_221 = arith.muli %scan3A_72, %mul3A_220 : i32
        %add3A_222 = arith.constant 49920 : i32
        %add3A_223 = arith.addi %add3A_222, %mul3A_221 : i32
        %add3A_224 = arith.addi %add3A_223, %mul3A_81 : i32
        %broadcast_in_dim3A_225 = vector.broadcast %add3A_224 : i32 to vector<16xi32>
        %add3A_226 = arith.addi %mul3A_7, %broadcast_in_dim3A_225 : vector<16xi32>
        %gather3A_227 = tpu.vector_load_idx %arg7[%add3A_226] : memref<66560xi32, #tpu.memory_space<vmem>>[vector<16xi32>], vector<16xi32>,
        %broadcast_in_dim3A_228 = arith.constant -1 : i32
        %broadcast_in_dim3A_229 = vector.broadcast %broadcast_in_dim3A_228 : i32 to vector<16xi32>
        %eq3A_230 = arith.cmpi eq, %gather3A_227, %broadcast_in_dim3A_229 : vector<16xi32>
        %broadcast_in_dim3A_231 = arith.constant 0 : i32
        %broadcast_in_dim3A_232 = vector.broadcast %broadcast_in_dim3A_231 : i32 to vector<16xi32>
        %broadcast_in_dim3A_233 = arith.constant 1 : i32
        %broadcast_in_dim3A_234 = vector.broadcast %broadcast_in_dim3A_233 : i32 to vector<16xi32>
        %select_n3A_235 = arith.select %eq3A_230, %broadcast_in_dim3A_232, %broadcast_in_dim3A_234 : vector<16xi1>, vector<16xi32>
        %broadcast_in_dim3A_236 = arith.constant 42 : i32
        %broadcast_in_dim3A_237 = vector.broadcast %broadcast_in_dim3A_236 : i32 to vector<16xi32>
        %select_n3A_238 = arith.select %eq3A_230, %broadcast_in_dim3A_237, %gather3A_227 : vector<16xi1>, vector<16xi32>
        %swap3A_239 = arith.constant 0 : i32
        %swap3A_240 = arith.index_cast %swap3A_239 : i32 to index
        %swap3A_241 = arith.constant 96 : index
        %swap3A_242 = tpu.vector_load %arg9[%swap3A_240, %swap3A_241] {strides = array<i32>} : memref<2x128xi32, #tpu.memory_space<vmem>>, vector<16xi32>,
        tpu.vector_store %arg9[%swap3A_240, %swap3A_241], %select_n3A_235 {strides = array<i32>} : memref<2x128xi32, #tpu.memory_space<vmem>>, vector<16xi32>,
        %mul3A_243 = arith.constant 20 : i32
        %mul3A_244 = arith.muli %scan3A_72, %mul3A_243 : i32
        %add3A_245 = arith.constant 58240 : i32
        %add3A_246 = arith.addi %add3A_245, %mul3A_244 : i32
        %add3A_247 = arith.addi %add3A_246, %mul3A_81 : i32
        %broadcast_in_dim3A_248 = vector.broadcast %add3A_247 : i32 to vector<16xi32>
        %add3A_249 = arith.addi %mul3A_7, %broadcast_in_dim3A_248 : vector<16xi32>
        %gather3A_250 = tpu.vector_load_idx %arg7[%add3A_249] : memref<66560xi32, #tpu.memory_space<vmem>>[vector<16xi32>], vector<16xi32>,
        %broadcast_in_dim3A_251 = arith.constant -1 : i32
        %broadcast_in_dim3A_252 = vector.broadcast %broadcast_in_dim3A_251 : i32 to vector<16xi32>
        %eq3A_253 = arith.cmpi eq, %gather3A_250, %broadcast_in_dim3A_252 : vector<16xi32>
        %broadcast_in_dim3A_254 = arith.constant 0 : i32
        %broadcast_in_dim3A_255 = vector.broadcast %broadcast_in_dim3A_254 : i32 to vector<16xi32>
        %broadcast_in_dim3A_256 = arith.constant 1 : i32
        %broadcast_in_dim3A_257 = vector.broadcast %broadcast_in_dim3A_256 : i32 to vector<16xi32>
        %select_n3A_258 = arith.select %eq3A_253, %broadcast_in_dim3A_255, %broadcast_in_dim3A_257 : vector<16xi1>, vector<16xi32>
        %broadcast_in_dim3A_259 = arith.constant 42 : i32
        %broadcast_in_dim3A_260 = vector.broadcast %broadcast_in_dim3A_259 : i32 to vector<16xi32>
        %select_n3A_261 = arith.select %eq3A_253, %broadcast_in_dim3A_260, %gather3A_250 : vector<16xi1>, vector<16xi32>
        %swap3A_262 = arith.constant 0 : i32
        %swap3A_263 = arith.index_cast %swap3A_262 : i32 to index
        %swap3A_264 = arith.constant 112 : index
        %swap3A_265 = tpu.vector_load %arg9[%swap3A_263, %swap3A_264] {strides = array<i32>} : memref<2x128xi32, #tpu.memory_space<vmem>>, vector<16xi32>,
        tpu.vector_store %arg9[%swap3A_263, %swap3A_264], %select_n3A_258 {strides = array<i32>} : memref<2x128xi32, #tpu.memory_space<vmem>>, vector<16xi32>,
        %parallel_loop3A = arith.constant 0 : i32
        %parallel_loop3A_266 = arith.constant 64 : i32
        %parallel_loop3A_267 = arith.constant 1 : i32
        scf.for %parallel_loop3A_518 = %parallel_loop3A to %parallel_loop3A_266 step %parallel_loop3A_267  : i32 {
          %parallel_loop3A_519 = arith.constant 48 : i32
          %parallel_loop3A_520 = arith.muli %parallel_loop3A_518, %parallel_loop3A_519 : i32
          %parallel_loop3A_521 = vector.broadcast %parallel_loop3A_520 : i32 to vector<16xi32>
          %parallel_loop3A_522 = arith.addi %select_n3A_101, %parallel_loop3A_521 : vector<16xi32>
          %parallel_loop3A_523 = tpu.vector_load_idx %arg6[%parallel_loop3A_522] : memref<3072xf32, #tpu.memory_space<vmem>>[vector<16xi32>], vector<16xf32>,
          %parallel_loop3A_524 = arith.constant 0 : i32
          %parallel_loop3A_525 = arith.index_cast %parallel_loop3A_524 : i32 to index
          %parallel_loop3A_526 = arith.index_cast %parallel_loop3A_518 : i32 to index
          %parallel_loop3A_527 = arith.constant 0 : index
          %parallel_loop3A_528 = tpu.vector_load %arg8[%parallel_loop3A_525, %parallel_loop3A_526, %parallel_loop3A_527] {strides = array<i32>} : memref<2x64x128xf32, #tpu.memory_space<vmem>>, vector<16xf32>,
          tpu.vector_store %arg8[%parallel_loop3A_525, %parallel_loop3A_526, %parallel_loop3A_527], %parallel_loop3A_523 {strides = array<i32>} : memref<2x64x128xf32, #tpu.memory_space<vmem>>, vector<16xf32>,
          %parallel_loop3A_529 = vector.broadcast %parallel_loop3A_520 : i32 to vector<16xi32>
          %parallel_loop3A_530 = arith.addi %select_n3A_123, %parallel_loop3A_529 : vector<16xi32>
          %parallel_loop3A_531 = tpu.vector_load_idx %arg6[%parallel_loop3A_530] : memref<3072xf32, #tpu.memory_space<vmem>>[vector<16xi32>], vector<16xf32>,
          %parallel_loop3A_532 = arith.constant 0 : i32
          %parallel_loop3A_533 = arith.index_cast %parallel_loop3A_532 : i32 to index
          %parallel_loop3A_534 = arith.index_cast %parallel_loop3A_518 : i32 to index
          %parallel_loop3A_535 = arith.constant 16 : index
          %parallel_loop3A_536 = tpu.vector_load %arg8[%parallel_loop3A_533, %parallel_loop3A_534, %parallel_loop3A_535] {strides = array<i32>} : memref<2x64x128xf32, #tpu.memory_space<vmem>>, vector<16xf32>,
          tpu.vector_store %arg8[%parallel_loop3A_533, %parallel_loop3A_534, %parallel_loop3A_535], %parallel_loop3A_531 {strides = array<i32>} : memref<2x64x128xf32, #tpu.memory_space<vmem>>, vector<16xf32>,
          %parallel_loop3A_537 = vector.broadcast %parallel_loop3A_520 : i32 to vector<16xi32>
          %parallel_loop3A_538 = arith.addi %select_n3A_146, %parallel_loop3A_537 : vector<16xi32>
          %parallel_loop3A_539 = tpu.vector_load_idx %arg6[%parallel_loop3A_538] : memref<3072xf32, #tpu.memory_space<vmem>>[vector<16xi32>], vector<16xf32>,
          %parallel_loop3A_540 = arith.constant 0 : i32
          %parallel_loop3A_541 = arith.index_cast %parallel_loop3A_540 : i32 to index
          %parallel_loop3A_542 = arith.index_cast %parallel_loop3A_518 : i32 to index
          %parallel_loop3A_543 = arith.constant 32 : index
          %parallel_loop3A_544 = tpu.vector_load %arg8[%parallel_loop3A_541, %parallel_loop3A_542, %parallel_loop3A_543] {strides = array<i32>} : memref<2x64x128xf32, #tpu.memory_space<vmem>>, vector<16xf32>,
          tpu.vector_store %arg8[%parallel_loop3A_541, %parallel_loop3A_542, %parallel_loop3A_543], %parallel_loop3A_539 {strides = array<i32>} : memref<2x64x128xf32, #tpu.memory_space<vmem>>, vector<16xf32>,
          %parallel_loop3A_545 = vector.broadcast %parallel_loop3A_520 : i32 to vector<16xi32>
          %parallel_loop3A_546 = arith.addi %select_n3A_169, %parallel_loop3A_545 : vector<16xi32>
          %parallel_loop3A_547 = tpu.vector_load_idx %arg6[%parallel_loop3A_546] : memref<3072xf32, #tpu.memory_space<vmem>>[vector<16xi32>], vector<16xf32>,
          %parallel_loop3A_548 = arith.constant 0 : i32
          %parallel_loop3A_549 = arith.index_cast %parallel_loop3A_548 : i32 to index
          %parallel_loop3A_550 = arith.index_cast %parallel_loop3A_518 : i32 to index
          %parallel_loop3A_551 = arith.constant 48 : index
          %parallel_loop3A_552 = tpu.vector_load %arg8[%parallel_loop3A_549, %parallel_loop3A_550, %parallel_loop3A_551] {strides = array<i32>} : memref<2x64x128xf32, #tpu.memory_space<vmem>>, vector<16xf32>,
          tpu.vector_store %arg8[%parallel_loop3A_549, %parallel_loop3A_550, %parallel_loop3A_551], %parallel_loop3A_547 {strides = array<i32>} : memref<2x64x128xf32, #tpu.memory_space<vmem>>, vector<16xf32>,
          %parallel_loop3A_553 = vector.broadcast %parallel_loop3A_520 : i32 to vector<16xi32>
          %parallel_loop3A_554 = arith.addi %select_n3A_192, %parallel_loop3A_553 : vector<16xi32>
          %parallel_loop3A_555 = tpu.vector_load_idx %arg6[%parallel_loop3A_554] : memref<3072xf32, #tpu.memory_space<vmem>>[vector<16xi32>], vector<16xf32>,
          %parallel_loop3A_556 = arith.constant 0 : i32
          %parallel_loop3A_557 = arith.index_cast %parallel_loop3A_556 : i32 to index
          %parallel_loop3A_558 = arith.index_cast %parallel_loop3A_518 : i32 to index
          %parallel_loop3A_559 = arith.constant 64 : index
          %parallel_loop3A_560 = tpu.vector_load %arg8[%parallel_loop3A_557, %parallel_loop3A_558, %parallel_loop3A_559] {strides = array<i32>} : memref<2x64x128xf32, #tpu.memory_space<vmem>>, vector<16xf32>,
          tpu.vector_store %arg8[%parallel_loop3A_557, %parallel_loop3A_558, %parallel_loop3A_559], %parallel_loop3A_555 {strides = array<i32>} : memref<2x64x128xf32, #tpu.memory_space<vmem>>, vector<16xf32>,
          %parallel_loop3A_561 = vector.broadcast %parallel_loop3A_520 : i32 to vector<16xi32>
          %parallel_loop3A_562 = arith.addi %select_n3A_215, %parallel_loop3A_561 : vector<16xi32>
          %parallel_loop3A_563 = tpu.vector_load_idx %arg6[%parallel_loop3A_562] : memref<3072xf32, #tpu.memory_space<vmem>>[vector<16xi32>], vector<16xf32>,
          %parallel_loop3A_564 = arith.constant 0 : i32
          %parallel_loop3A_565 = arith.index_cast %parallel_loop3A_564 : i32 to index
          %parallel_loop3A_566 = arith.index_cast %parallel_loop3A_518 : i32 to index
          %parallel_loop3A_567 = arith.constant 80 : index
          %parallel_loop3A_568 = tpu.vector_load %arg8[%parallel_loop3A_565, %parallel_loop3A_566, %parallel_loop3A_567] {strides = array<i32>} : memref<2x64x128xf32, #tpu.memory_space<vmem>>, vector<16xf32>,
          tpu.vector_store %arg8[%parallel_loop3A_565, %parallel_loop3A_566, %parallel_loop3A_567], %parallel_loop3A_563 {strides = array<i32>} : memref<2x64x128xf32, #tpu.memory_space<vmem>>, vector<16xf32>,
          %parallel_loop3A_569 = vector.broadcast %parallel_loop3A_520 : i32 to vector<16xi32>
          %parallel_loop3A_570 = arith.addi %select_n3A_238, %parallel_loop3A_569 : vector<16xi32>
          %parallel_loop3A_571 = tpu.vector_load_idx %arg6[%parallel_loop3A_570] : memref<3072xf32, #tpu.memory_space<vmem>>[vector<16xi32>], vector<16xf32>,
          %parallel_loop3A_572 = arith.constant 0 : i32
          %parallel_loop3A_573 = arith.index_cast %parallel_loop3A_572 : i32 to index
          %parallel_loop3A_574 = arith.index_cast %parallel_loop3A_518 : i32 to index
          %parallel_loop3A_575 = arith.constant 96 : index
          %parallel_loop3A_576 = tpu.vector_load %arg8[%parallel_loop3A_573, %parallel_loop3A_574, %parallel_loop3A_575] {strides = array<i32>} : memref<2x64x128xf32, #tpu.memory_space<vmem>>, vector<16xf32>,
          tpu.vector_store %arg8[%parallel_loop3A_573, %parallel_loop3A_574, %parallel_loop3A_575], %parallel_loop3A_571 {strides = array<i32>} : memref<2x64x128xf32, #tpu.memory_space<vmem>>, vector<16xf32>,
          %parallel_loop3A_577 = vector.broadcast %parallel_loop3A_520 : i32 to vector<16xi32>
          %parallel_loop3A_578 = arith.addi %select_n3A_261, %parallel_loop3A_577 : vector<16xi32>
          %parallel_loop3A_579 = tpu.vector_load_idx %arg6[%parallel_loop3A_578] : memref<3072xf32, #tpu.memory_space<vmem>>[vector<16xi32>], vector<16xf32>,
          %parallel_loop3A_580 = arith.constant 0 : i32
          %parallel_loop3A_581 = arith.index_cast %parallel_loop3A_580 : i32 to index
          %parallel_loop3A_582 = arith.index_cast %parallel_loop3A_518 : i32 to index
          %parallel_loop3A_583 = arith.constant 112 : index
          %parallel_loop3A_584 = tpu.vector_load %arg8[%parallel_loop3A_581, %parallel_loop3A_582, %parallel_loop3A_583] {strides = array<i32>} : memref<2x64x128xf32, #tpu.memory_space<vmem>>, vector<16xf32>,
          tpu.vector_store %arg8[%parallel_loop3A_581, %parallel_loop3A_582, %parallel_loop3A_583], %parallel_loop3A_579 {strides = array<i32>} : memref<2x64x128xf32, #tpu.memory_space<vmem>>, vector<16xf32>,
        } {sc.loop_unroll_factor = 8 : i64, sc.parallel_access}
        %dma_start3A = arith.constant 0 : i32
        %dma_start3A_268 = arith.constant 0 : i32
        %dma_start3A_269 = arith.constant 0 : i32
        %dma_start3A_270 = tpu.memref_slice %arg8[%dma_start3A, %dma_start3A_268, %dma_start3A_269] : memref<2x64x128xf32, #tpu.memory_space<vmem>> -> memref<1x64x128xf32, #tpu.memory_space<vmem>>
        %dma_start3A_271 = tpu.memref_squeeze %dma_start3A_270 : memref<1x64x128xf32, #tpu.memory_space<vmem>> -> memref<64x128xf32, #tpu.memory_space<vmem>>
        %dma_start3A_272 = arith.constant 0 : i32
        %dma_start3A_273 = tpu.memref_slice %arg4[%scan3A_72, %mul3A_81, %dma_start3A_272, %mul3A_2] : memref<26x20x64x4096xf32, #tpu.memory_space<hbm>> -> memref<1x1x64x128xf32, #tpu.memory_space<hbm>>
        %dma_start3A_274 = tpu.memref_squeeze %dma_start3A_273 : memref<1x1x64x128xf32, #tpu.memory_space<hbm>> -> memref<64x128xf32, #tpu.memory_space<hbm>>
        %dma_start3A_275 = arith.constant 0 : i32
        %dma_start3A_276 = tpu.memref_slice %arg4[%scan3A_72, %mul3A_81, %dma_start3A_275, %mul3A_2] : memref<26x20x64x4096xf32, #tpu.memory_space<hbm>> -> memref<1x1x64x128xf32, #tpu.memory_space<hbm>>
        %dma_start3A_277 = tpu.memref_squeeze %dma_start3A_276 : memref<1x1x64x128xf32, #tpu.memory_space<hbm>> -> memref<64x128xf32, #tpu.memory_space<hbm>>
        %dma_start3A_278 = arith.constant 0 : i32
        %dma_start3A_279 = arith.constant 0 : i32
        %dma_start3A_280 = tpu.memref_slice %arg8[%dma_start3A, %dma_start3A_278, %dma_start3A_279] : memref<2x64x128xf32, #tpu.memory_space<vmem>> -> memref<1x64x128xf32, #tpu.memory_space<vmem>>
        %dma_start3A_281 = tpu.memref_squeeze %dma_start3A_280 : memref<1x64x128xf32, #tpu.memory_space<vmem>> -> memref<64x128xf32, #tpu.memory_space<vmem>>
        tpu.enqueue_dma source(%dma_start3A_281 : memref<64x128xf32, #tpu.memory_space<vmem>>) target(%dma_start3A_277 : memref<64x128xf32, #tpu.memory_space<hbm>>) target_semaphore(%arg10 : memref<!tpu.dma_semaphore, #tpu.memory_space<semaphore_mem>>)
        %dma_start3A_282 = arith.constant 0 : i32
        %dma_start3A_283 = arith.constant 0 : i32
        %dma_start3A_284 = tpu.memref_slice %arg9[%dma_start3A_282, %dma_start3A_283] : memref<2x128xi32, #tpu.memory_space<vmem>> -> memref<1x128xi32, #tpu.memory_space<vmem>>
        %dma_start3A_285 = tpu.memref_squeeze %dma_start3A_284 : memref<1x128xi32, #tpu.memory_space<vmem>> -> memref<128xi32, #tpu.memory_space<vmem>>
        %dma_start3A_286 = tpu.memref_slice %arg5[%scan3A_72, %mul3A_81, %mul3A_2] : memref<26x20x4096xi32, #tpu.memory_space<hbm>> -> memref<1x1x128xi32, #tpu.memory_space<hbm>>
        %dma_start3A_287 = tpu.memref_squeeze %dma_start3A_286 : memref<1x1x128xi32, #tpu.memory_space<hbm>> -> memref<128xi32, #tpu.memory_space<hbm>>
        %dma_start3A_288 = tpu.memref_slice %arg5[%scan3A_72, %mul3A_81, %mul3A_2] : memref<26x20x4096xi32, #tpu.memory_space<hbm>> -> memref<1x1x128xi32, #tpu.memory_space<hbm>>
        %dma_start3A_289 = tpu.memref_squeeze %dma_start3A_288 : memref<1x1x128xi32, #tpu.memory_space<hbm>> -> memref<128xi32, #tpu.memory_space<hbm>>
        %dma_start3A_290 = arith.constant 0 : i32
        %dma_start3A_291 = tpu.memref_slice %arg9[%dma_start3A_282, %dma_start3A_290] : memref<2x128xi32, #tpu.memory_space<vmem>> -> memref<1x128xi32, #tpu.memory_space<vmem>>
        %dma_start3A_292 = tpu.memref_squeeze %dma_start3A_291 : memref<1x128xi32, #tpu.memory_space<vmem>> -> memref<128xi32, #tpu.memory_space<vmem>>
        tpu.enqueue_dma source(%dma_start3A_292 : memref<128xi32, #tpu.memory_space<vmem>>) target(%dma_start3A_289 : memref<128xi32, #tpu.memory_space<hbm>>) target_semaphore(%arg12 : memref<!tpu.dma_semaphore, #tpu.memory_space<semaphore_mem>>)
        %mul3A_293 = arith.constant 2 : i32
        %mul3A_294 = arith.muli %mul3A_293, %scan3A_79 : i32
        %add3A_295 = arith.constant 1 : i32
        %add3A_296 = arith.addi %mul3A_294, %add3A_295 : i32
        %mul3A_297 = arith.constant 20 : i32
        %mul3A_298 = arith.muli %scan3A_72, %mul3A_297 : i32
        %add3A_299 = arith.addi %mul3A_298, %add3A_296 : i32
        %ge3A_300 = arith.constant 2 : i32
        %ge3A_301 = arith.cmpi sge, %add3A_299, %ge3A_300 : i32
        %convert_element_type3A_302 = arith.extui %ge3A_301 : i1 to i32
        %cond3A_303 = arith.constant 0 : i32
        %cond3A_304 = arith.cmpi ne, %convert_element_type3A_302, %cond3A_303 : i32
        scf.if %cond3A_304 {
          %dma_wait3A_518 = arith.constant 1 : i32
          %dma_wait3A_519 = arith.constant 0 : i32
          %dma_wait3A_520 = arith.constant 0 : i32
          %dma_wait3A_521 = tpu.memref_slice %arg8[%dma_wait3A_518, %dma_wait3A_519, %dma_wait3A_520] : memref<2x64x128xf32, #tpu.memory_space<vmem>> -> memref<1x64x128xf32, #tpu.memory_space<vmem>>
          %dma_wait3A_522 = tpu.memref_squeeze %dma_wait3A_521 : memref<1x64x128xf32, #tpu.memory_space<vmem>> -> memref<64x128xf32, #tpu.memory_space<vmem>>
          %dma_wait3A_523 = arith.constant 0 : i32
          %dma_wait3A_524 = tpu.memref_slice %arg4[%scan3A_72, %add3A_296, %dma_wait3A_523, %mul3A_2] : memref<26x20x64x4096xf32, #tpu.memory_space<hbm>> -> memref<1x1x64x128xf32, #tpu.memory_space<hbm>>
          %dma_wait3A_525 = tpu.memref_squeeze %dma_wait3A_524 : memref<1x1x64x128xf32, #tpu.memory_space<hbm>> -> memref<64x128xf32, #tpu.memory_space<hbm>>
          %dma_wait3A_526 = arith.constant 0 : i32
          %dma_wait3A_527 = tpu.memref_slice %arg4[%scan3A_72, %add3A_296, %dma_wait3A_526, %mul3A_2] : memref<26x20x64x4096xf32, #tpu.memory_space<hbm>> -> memref<1x1x64x128xf32, #tpu.memory_space<hbm>>
          %dma_wait3A_528 = tpu.memref_squeeze %dma_wait3A_527 : memref<1x1x64x128xf32, #tpu.memory_space<hbm>> -> memref<64x128xf32, #tpu.memory_space<hbm>>
          %dma_wait3A_529 = arith.constant 0 : i32
          %dma_wait3A_530 = arith.constant 0 : i32
          %dma_wait3A_531 = tpu.memref_slice %arg8[%dma_wait3A_518, %dma_wait3A_529, %dma_wait3A_530] : memref<2x64x128xf32, #tpu.memory_space<vmem>> -> memref<1x64x128xf32, #tpu.memory_space<vmem>>
          %dma_wait3A_532 = tpu.memref_squeeze %dma_wait3A_531 : memref<1x64x128xf32, #tpu.memory_space<vmem>> -> memref<64x128xf32, #tpu.memory_space<vmem>>
          tpu.wait_dma2 semaphore(%arg11 : memref<!tpu.dma_semaphore, #tpu.memory_space<semaphore_mem>>) src(%dma_wait3A_532 : memref<64x128xf32, #tpu.memory_space<vmem>>) dst(%dma_wait3A_528 : memref<64x128xf32, #tpu.memory_space<hbm>>)
          %dma_wait3A_533 = arith.constant 1 : i32
          %dma_wait3A_534 = arith.constant 0 : i32
          %dma_wait3A_535 = tpu.memref_slice %arg9[%dma_wait3A_533, %dma_wait3A_534] : memref<2x128xi32, #tpu.memory_space<vmem>> -> memref<1x128xi32, #tpu.memory_space<vmem>>
          %dma_wait3A_536 = tpu.memref_squeeze %dma_wait3A_535 : memref<1x128xi32, #tpu.memory_space<vmem>> -> memref<128xi32, #tpu.memory_space<vmem>>
          %dma_wait3A_537 = tpu.memref_slice %arg5[%scan3A_72, %add3A_296, %mul3A_2] : memref<26x20x4096xi32, #tpu.memory_space<hbm>> -> memref<1x1x128xi32, #tpu.memory_space<hbm>>
          %dma_wait3A_538 = tpu.memref_squeeze %dma_wait3A_537 : memref<1x1x128xi32, #tpu.memory_space<hbm>> -> memref<128xi32, #tpu.memory_space<hbm>>
          %dma_wait3A_539 = tpu.memref_slice %arg5[%scan3A_72, %add3A_296, %mul3A_2] : memref<26x20x4096xi32, #tpu.memory_space<hbm>> -> memref<1x1x128xi32, #tpu.memory_space<hbm>>
          %dma_wait3A_540 = tpu.memref_squeeze %dma_wait3A_539 : memref<1x1x128xi32, #tpu.memory_space<hbm>> -> memref<128xi32, #tpu.memory_space<hbm>>
          %dma_wait3A_541 = arith.constant 0 : i32
          %dma_wait3A_542 = tpu.memref_slice %arg9[%dma_wait3A_533, %dma_wait3A_541] : memref<2x128xi32, #tpu.memory_space<vmem>> -> memref<1x128xi32, #tpu.memory_space<vmem>>
          %dma_wait3A_543 = tpu.memref_squeeze %dma_wait3A_542 : memref<1x128xi32, #tpu.memory_space<vmem>> -> memref<128xi32, #tpu.memory_space<vmem>>
          tpu.wait_dma2 semaphore(%arg13 : memref<!tpu.dma_semaphore, #tpu.memory_space<semaphore_mem>>) src(%dma_wait3A_543 : memref<128xi32, #tpu.memory_space<vmem>>) dst(%dma_wait3A_540 : memref<128xi32, #tpu.memory_space<hbm>>)
        } else {
        }
        %mul3A_305 = arith.constant 20 : i32
        %mul3A_306 = arith.muli %scan3A_72, %mul3A_305 : i32
        %add3A_307 = arith.constant 0 : i32
        %add3A_308 = arith.addi %add3A_307, %mul3A_306 : i32
        %add3A_309 = arith.addi %add3A_308, %add3A_296 : i32
        %broadcast_in_dim3A_310 = vector.broadcast %add3A_309 : i32 to vector<16xi32>
        %add3A_311 = arith.addi %mul3A_7, %broadcast_in_dim3A_310 : vector<16xi32>
        %gather3A_312 = tpu.vector_load_idx %arg7[%add3A_311] : memref<66560xi32, #tpu.memory_space<vmem>>[vector<16xi32>], vector<16xi32>,
        %broadcast_in_dim3A_313 = arith.constant -1 : i32
        %broadcast_in_dim3A_314 = vector.broadcast %broadcast_in_dim3A_313 : i32 to vector<16xi32>
        %eq3A_315 = arith.cmpi eq, %gather3A_312, %broadcast_in_dim3A_314 : vector<16xi32>
        %broadcast_in_dim3A_316 = arith.constant 0 : i32
        %broadcast_in_dim3A_317 = vector.broadcast %broadcast_in_dim3A_316 : i32 to vector<16xi32>
        %broadcast_in_dim3A_318 = arith.constant 1 : i32
        %broadcast_in_dim3A_319 = vector.broadcast %broadcast_in_dim3A_318 : i32 to vector<16xi32>
        %select_n3A_320 = arith.select %eq3A_315, %broadcast_in_dim3A_317, %broadcast_in_dim3A_319 : vector<16xi1>, vector<16xi32>
        %broadcast_in_dim3A_321 = arith.constant 42 : i32
        %broadcast_in_dim3A_322 = vector.broadcast %broadcast_in_dim3A_321 : i32 to vector<16xi32>
        %select_n3A_323 = arith.select %eq3A_315, %broadcast_in_dim3A_322, %gather3A_312 : vector<16xi1>, vector<16xi32>
        %swap3A_324 = arith.constant 1 : i32
        %swap3A_325 = arith.index_cast %swap3A_324 : i32 to index
        %swap3A_326 = arith.constant 0 : index
        %swap3A_327 = tpu.vector_load %arg9[%swap3A_325, %swap3A_326] {strides = array<i32>} : memref<2x128xi32, #tpu.memory_space<vmem>>, vector<16xi32>,
        tpu.vector_store %arg9[%swap3A_325, %swap3A_326], %select_n3A_320 {strides = array<i32>} : memref<2x128xi32, #tpu.memory_space<vmem>>, vector<16xi32>,
        %mul3A_328 = arith.constant 20 : i32
        %mul3A_329 = arith.muli %scan3A_72, %mul3A_328 : i32
        %add3A_330 = arith.constant 8320 : i32
        %add3A_331 = arith.addi %add3A_330, %mul3A_329 : i32
        %add3A_332 = arith.addi %add3A_331, %add3A_296 : i32
        %broadcast_in_dim3A_333 = vector.broadcast %add3A_332 : i32 to vector<16xi32>
        %add3A_334 = arith.addi %mul3A_7, %broadcast_in_dim3A_333 : vector<16xi32>
        %gather3A_335 = tpu.vector_load_idx %arg7[%add3A_334] : memref<66560xi32, #tpu.memory_space<vmem>>[vector<16xi32>], vector<16xi32>,
        %broadcast_in_dim3A_336 = arith.constant -1 : i32
        %broadcast_in_dim3A_337 = vector.broadcast %broadcast_in_dim3A_336 : i32 to vector<16xi32>
        %eq3A_338 = arith.cmpi eq, %gather3A_335, %broadcast_in_dim3A_337 : vector<16xi32>
        %broadcast_in_dim3A_339 = arith.constant 0 : i32
        %broadcast_in_dim3A_340 = vector.broadcast %broadcast_in_dim3A_339 : i32 to vector<16xi32>
        %broadcast_in_dim3A_341 = arith.constant 1 : i32
        %broadcast_in_dim3A_342 = vector.broadcast %broadcast_in_dim3A_341 : i32 to vector<16xi32>
        %select_n3A_343 = arith.select %eq3A_338, %broadcast_in_dim3A_340, %broadcast_in_dim3A_342 : vector<16xi1>, vector<16xi32>
        %broadcast_in_dim3A_344 = arith.constant 42 : i32
        %broadcast_in_dim3A_345 = vector.broadcast %broadcast_in_dim3A_344 : i32 to vector<16xi32>
        %select_n3A_346 = arith.select %eq3A_338, %broadcast_in_dim3A_345, %gather3A_335 : vector<16xi1>, vector<16xi32>
        %swap3A_347 = arith.constant 1 : i32
        %swap3A_348 = arith.index_cast %swap3A_347 : i32 to index
        %swap3A_349 = arith.constant 16 : index
        %swap3A_350 = tpu.vector_load %arg9[%swap3A_348, %swap3A_349] {strides = array<i32>} : memref<2x128xi32, #tpu.memory_space<vmem>>, vector<16xi32>,
        tpu.vector_store %arg9[%swap3A_348, %swap3A_349], %select_n3A_343 {strides = array<i32>} : memref<2x128xi32, #tpu.memory_space<vmem>>, vector<16xi32>,
        %mul3A_351 = arith.constant 20 : i32
        %mul3A_352 = arith.muli %scan3A_72, %mul3A_351 : i32
        %add3A_353 = arith.constant 16640 : i32
        %add3A_354 = arith.addi %add3A_353, %mul3A_352 : i32
        %add3A_355 = arith.addi %add3A_354, %add3A_296 : i32
        %broadcast_in_dim3A_356 = vector.broadcast %add3A_355 : i32 to vector<16xi32>
        %add3A_357 = arith.addi %mul3A_7, %broadcast_in_dim3A_356 : vector<16xi32>
        %gather3A_358 = tpu.vector_load_idx %arg7[%add3A_357] : memref<66560xi32, #tpu.memory_space<vmem>>[vector<16xi32>], vector<16xi32>,
        %broadcast_in_dim3A_359 = arith.constant -1 : i32
        %broadcast_in_dim3A_360 = vector.broadcast %broadcast_in_dim3A_359 : i32 to vector<16xi32>
        %eq3A_361 = arith.cmpi eq, %gather3A_358, %broadcast_in_dim3A_360 : vector<16xi32>
        %broadcast_in_dim3A_362 = arith.constant 0 : i32
        %broadcast_in_dim3A_363 = vector.broadcast %broadcast_in_dim3A_362 : i32 to vector<16xi32>
        %broadcast_in_dim3A_364 = arith.constant 1 : i32
        %broadcast_in_dim3A_365 = vector.broadcast %broadcast_in_dim3A_364 : i32 to vector<16xi32>
        %select_n3A_366 = arith.select %eq3A_361, %broadcast_in_dim3A_363, %broadcast_in_dim3A_365 : vector<16xi1>, vector<16xi32>
        %broadcast_in_dim3A_367 = arith.constant 42 : i32
        %broadcast_in_dim3A_368 = vector.broadcast %broadcast_in_dim3A_367 : i32 to vector<16xi32>
        %select_n3A_369 = arith.select %eq3A_361, %broadcast_in_dim3A_368, %gather3A_358 : vector<16xi1>, vector<16xi32>
        %swap3A_370 = arith.constant 1 : i32
        %swap3A_371 = arith.index_cast %swap3A_370 : i32 to index
        %swap3A_372 = arith.constant 32 : index
        %swap3A_373 = tpu.vector_load %arg9[%swap3A_371, %swap3A_372] {strides = array<i32>} : memref<2x128xi32, #tpu.memory_space<vmem>>, vector<16xi32>,
        tpu.vector_store %arg9[%swap3A_371, %swap3A_372], %select_n3A_366 {strides = array<i32>} : memref<2x128xi32, #tpu.memory_space<vmem>>, vector<16xi32>,
        %mul3A_374 = arith.constant 20 : i32
        %mul3A_375 = arith.muli %scan3A_72, %mul3A_374 : i32
        %add3A_376 = arith.constant 24960 : i32
        %add3A_377 = arith.addi %add3A_376, %mul3A_375 : i32
        %add3A_378 = arith.addi %add3A_377, %add3A_296 : i32
        %broadcast_in_dim3A_379 = vector.broadcast %add3A_378 : i32 to vector<16xi32>
        %add3A_380 = arith.addi %mul3A_7, %broadcast_in_dim3A_379 : vector<16xi32>
        %gather3A_381 = tpu.vector_load_idx %arg7[%add3A_380] : memref<66560xi32, #tpu.memory_space<vmem>>[vector<16xi32>], vector<16xi32>,
        %broadcast_in_dim3A_382 = arith.constant -1 : i32
        %broadcast_in_dim3A_383 = vector.broadcast %broadcast_in_dim3A_382 : i32 to vector<16xi32>
        %eq3A_384 = arith.cmpi eq, %gather3A_381, %broadcast_in_dim3A_383 : vector<16xi32>
        %broadcast_in_dim3A_385 = arith.constant 0 : i32
        %broadcast_in_dim3A_386 = vector.broadcast %broadcast_in_dim3A_385 : i32 to vector<16xi32>
        %broadcast_in_dim3A_387 = arith.constant 1 : i32
        %broadcast_in_dim3A_388 = vector.broadcast %broadcast_in_dim3A_387 : i32 to vector<16xi32>
        %select_n3A_389 = arith.select %eq3A_384, %broadcast_in_dim3A_386, %broadcast_in_dim3A_388 : vector<16xi1>, vector<16xi32>
        %broadcast_in_dim3A_390 = arith.constant 42 : i32
        %broadcast_in_dim3A_391 = vector.broadcast %broadcast_in_dim3A_390 : i32 to vector<16xi32>
        %select_n3A_392 = arith.select %eq3A_384, %broadcast_in_dim3A_391, %gather3A_381 : vector<16xi1>, vector<16xi32>
        %swap3A_393 = arith.constant 1 : i32
        %swap3A_394 = arith.index_cast %swap3A_393 : i32 to index
        %swap3A_395 = arith.constant 48 : index
        %swap3A_396 = tpu.vector_load %arg9[%swap3A_394, %swap3A_395] {strides = array<i32>} : memref<2x128xi32, #tpu.memory_space<vmem>>, vector<16xi32>,
        tpu.vector_store %arg9[%swap3A_394, %swap3A_395], %select_n3A_389 {strides = array<i32>} : memref<2x128xi32, #tpu.memory_space<vmem>>, vector<16xi32>,
        %mul3A_397 = arith.constant 20 : i32
        %mul3A_398 = arith.muli %scan3A_72, %mul3A_397 : i32
        %add3A_399 = arith.constant 33280 : i32
        %add3A_400 = arith.addi %add3A_399, %mul3A_398 : i32
        %add3A_401 = arith.addi %add3A_400, %add3A_296 : i32
        %broadcast_in_dim3A_402 = vector.broadcast %add3A_401 : i32 to vector<16xi32>
        %add3A_403 = arith.addi %mul3A_7, %broadcast_in_dim3A_402 : vector<16xi32>
        %gather3A_404 = tpu.vector_load_idx %arg7[%add3A_403] : memref<66560xi32, #tpu.memory_space<vmem>>[vector<16xi32>], vector<16xi32>,
        %broadcast_in_dim3A_405 = arith.constant -1 : i32
        %broadcast_in_dim3A_406 = vector.broadcast %broadcast_in_dim3A_405 : i32 to vector<16xi32>
        %eq3A_407 = arith.cmpi eq, %gather3A_404, %broadcast_in_dim3A_406 : vector<16xi32>
        %broadcast_in_dim3A_408 = arith.constant 0 : i32
        %broadcast_in_dim3A_409 = vector.broadcast %broadcast_in_dim3A_408 : i32 to vector<16xi32>
        %broadcast_in_dim3A_410 = arith.constant 1 : i32
        %broadcast_in_dim3A_411 = vector.broadcast %broadcast_in_dim3A_410 : i32 to vector<16xi32>
        %select_n3A_412 = arith.select %eq3A_407, %broadcast_in_dim3A_409, %broadcast_in_dim3A_411 : vector<16xi1>, vector<16xi32>
        %broadcast_in_dim3A_413 = arith.constant 42 : i32
        %broadcast_in_dim3A_414 = vector.broadcast %broadcast_in_dim3A_413 : i32 to vector<16xi32>
        %select_n3A_415 = arith.select %eq3A_407, %broadcast_in_dim3A_414, %gather3A_404 : vector<16xi1>, vector<16xi32>
        %swap3A_416 = arith.constant 1 : i32
        %swap3A_417 = arith.index_cast %swap3A_416 : i32 to index
        %swap3A_418 = arith.constant 64 : index
        %swap3A_419 = tpu.vector_load %arg9[%swap3A_417, %swap3A_418] {strides = array<i32>} : memref<2x128xi32, #tpu.memory_space<vmem>>, vector<16xi32>,
        tpu.vector_store %arg9[%swap3A_417, %swap3A_418], %select_n3A_412 {strides = array<i32>} : memref<2x128xi32, #tpu.memory_space<vmem>>, vector<16xi32>,
        %mul3A_420 = arith.constant 20 : i32
        %mul3A_421 = arith.muli %scan3A_72, %mul3A_420 : i32
        %add3A_422 = arith.constant 41600 : i32
        %add3A_423 = arith.addi %add3A_422, %mul3A_421 : i32
        %add3A_424 = arith.addi %add3A_423, %add3A_296 : i32
        %broadcast_in_dim3A_425 = vector.broadcast %add3A_424 : i32 to vector<16xi32>
        %add3A_426 = arith.addi %mul3A_7, %broadcast_in_dim3A_425 : vector<16xi32>
        %gather3A_427 = tpu.vector_load_idx %arg7[%add3A_426] : memref<66560xi32, #tpu.memory_space<vmem>>[vector<16xi32>], vector<16xi32>,
        %broadcast_in_dim3A_428 = arith.constant -1 : i32
        %broadcast_in_dim3A_429 = vector.broadcast %broadcast_in_dim3A_428 : i32 to vector<16xi32>
        %eq3A_430 = arith.cmpi eq, %gather3A_427, %broadcast_in_dim3A_429 : vector<16xi32>
        %broadcast_in_dim3A_431 = arith.constant 0 : i32
        %broadcast_in_dim3A_432 = vector.broadcast %broadcast_in_dim3A_431 : i32 to vector<16xi32>
        %broadcast_in_dim3A_433 = arith.constant 1 : i32
        %broadcast_in_dim3A_434 = vector.broadcast %broadcast_in_dim3A_433 : i32 to vector<16xi32>
        %select_n3A_435 = arith.select %eq3A_430, %broadcast_in_dim3A_432, %broadcast_in_dim3A_434 : vector<16xi1>, vector<16xi32>
        %broadcast_in_dim3A_436 = arith.constant 42 : i32
        %broadcast_in_dim3A_437 = vector.broadcast %broadcast_in_dim3A_436 : i32 to vector<16xi32>
        %select_n3A_438 = arith.select %eq3A_430, %broadcast_in_dim3A_437, %gather3A_427 : vector<16xi1>, vector<16xi32>
        %swap3A_439 = arith.constant 1 : i32
        %swap3A_440 = arith.index_cast %swap3A_439 : i32 to index
        %swap3A_441 = arith.constant 80 : index
        %swap3A_442 = tpu.vector_load %arg9[%swap3A_440, %swap3A_441] {strides = array<i32>} : memref<2x128xi32, #tpu.memory_space<vmem>>, vector<16xi32>,
        tpu.vector_store %arg9[%swap3A_440, %swap3A_441], %select_n3A_435 {strides = array<i32>} : memref<2x128xi32, #tpu.memory_space<vmem>>, vector<16xi32>,
        %mul3A_443 = arith.constant 20 : i32
        %mul3A_444 = arith.muli %scan3A_72, %mul3A_443 : i32
        %add3A_445 = arith.constant 49920 : i32
        %add3A_446 = arith.addi %add3A_445, %mul3A_444 : i32
        %add3A_447 = arith.addi %add3A_446, %add3A_296 : i32
        %broadcast_in_dim3A_448 = vector.broadcast %add3A_447 : i32 to vector<16xi32>
        %add3A_449 = arith.addi %mul3A_7, %broadcast_in_dim3A_448 : vector<16xi32>
        %gather3A_450 = tpu.vector_load_idx %arg7[%add3A_449] : memref<66560xi32, #tpu.memory_space<vmem>>[vector<16xi32>], vector<16xi32>,
        %broadcast_in_dim3A_451 = arith.constant -1 : i32
        %broadcast_in_dim3A_452 = vector.broadcast %broadcast_in_dim3A_451 : i32 to vector<16xi32>
        %eq3A_453 = arith.cmpi eq, %gather3A_450, %broadcast_in_dim3A_452 : vector<16xi32>
        %broadcast_in_dim3A_454 = arith.constant 0 : i32
        %broadcast_in_dim3A_455 = vector.broadcast %broadcast_in_dim3A_454 : i32 to vector<16xi32>
        %broadcast_in_dim3A_456 = arith.constant 1 : i32
        %broadcast_in_dim3A_457 = vector.broadcast %broadcast_in_dim3A_456 : i32 to vector<16xi32>
        %select_n3A_458 = arith.select %eq3A_453, %broadcast_in_dim3A_455, %broadcast_in_dim3A_457 : vector<16xi1>, vector<16xi32>
        %broadcast_in_dim3A_459 = arith.constant 42 : i32
        %broadcast_in_dim3A_460 = vector.broadcast %broadcast_in_dim3A_459 : i32 to vector<16xi32>
        %select_n3A_461 = arith.select %eq3A_453, %broadcast_in_dim3A_460, %gather3A_450 : vector<16xi1>, vector<16xi32>
        %swap3A_462 = arith.constant 1 : i32
        %swap3A_463 = arith.index_cast %swap3A_462 : i32 to index
        %swap3A_464 = arith.constant 96 : index
        %swap3A_465 = tpu.vector_load %arg9[%swap3A_463, %swap3A_464] {strides = array<i32>} : memref<2x128xi32, #tpu.memory_space<vmem>>, vector<16xi32>,
        tpu.vector_store %arg9[%swap3A_463, %swap3A_464], %select_n3A_458 {strides = array<i32>} : memref<2x128xi32, #tpu.memory_space<vmem>>, vector<16xi32>,
        %mul3A_466 = arith.constant 20 : i32
        %mul3A_467 = arith.muli %scan3A_72, %mul3A_466 : i32
        %add3A_468 = arith.constant 58240 : i32
        %add3A_469 = arith.addi %add3A_468, %mul3A_467 : i32
        %add3A_470 = arith.addi %add3A_469, %add3A_296 : i32
        %broadcast_in_dim3A_471 = vector.broadcast %add3A_470 : i32 to vector<16xi32>
        %add3A_472 = arith.addi %mul3A_7, %broadcast_in_dim3A_471 : vector<16xi32>
        %gather3A_473 = tpu.vector_load_idx %arg7[%add3A_472] : memref<66560xi32, #tpu.memory_space<vmem>>[vector<16xi32>], vector<16xi32>,
        %broadcast_in_dim3A_474 = arith.constant -1 : i32
        %broadcast_in_dim3A_475 = vector.broadcast %broadcast_in_dim3A_474 : i32 to vector<16xi32>
        %eq3A_476 = arith.cmpi eq, %gather3A_473, %broadcast_in_dim3A_475 : vector<16xi32>
        %broadcast_in_dim3A_477 = arith.constant 0 : i32
        %broadcast_in_dim3A_478 = vector.broadcast %broadcast_in_dim3A_477 : i32 to vector<16xi32>
        %broadcast_in_dim3A_479 = arith.constant 1 : i32
        %broadcast_in_dim3A_480 = vector.broadcast %broadcast_in_dim3A_479 : i32 to vector<16xi32>
        %select_n3A_481 = arith.select %eq3A_476, %broadcast_in_dim3A_478, %broadcast_in_dim3A_480 : vector<16xi1>, vector<16xi32>
        %broadcast_in_dim3A_482 = arith.constant 42 : i32
        %broadcast_in_dim3A_483 = vector.broadcast %broadcast_in_dim3A_482 : i32 to vector<16xi32>
        %select_n3A_484 = arith.select %eq3A_476, %broadcast_in_dim3A_483, %gather3A_473 : vector<16xi1>, vector<16xi32>
        %swap3A_485 = arith.constant 1 : i32
        %swap3A_486 = arith.index_cast %swap3A_485 : i32 to index
        %swap3A_487 = arith.constant 112 : index
        %swap3A_488 = tpu.vector_load %arg9[%swap3A_486, %swap3A_487] {strides = array<i32>} : memref<2x128xi32, #tpu.memory_space<vmem>>, vector<16xi32>,
        tpu.vector_store %arg9[%swap3A_486, %swap3A_487], %select_n3A_481 {strides = array<i32>} : memref<2x128xi32, #tpu.memory_space<vmem>>, vector<16xi32>,
        %parallel_loop3A_489 = arith.constant 0 : i32
        %parallel_loop3A_490 = arith.constant 64 : i32
        %parallel_loop3A_491 = arith.constant 1 : i32
        scf.for %parallel_loop3A_518 = %parallel_loop3A_489 to %parallel_loop3A_490 step %parallel_loop3A_491  : i32 {
          %parallel_loop3A_519 = arith.constant 48 : i32
          %parallel_loop3A_520 = arith.muli %parallel_loop3A_518, %parallel_loop3A_519 : i32
          %parallel_loop3A_521 = vector.broadcast %parallel_loop3A_520 : i32 to vector<16xi32>
          %parallel_loop3A_522 = arith.addi %select_n3A_323, %parallel_loop3A_521 : vector<16xi32>
          %parallel_loop3A_523 = tpu.vector_load_idx %arg6[%parallel_loop3A_522] : memref<3072xf32, #tpu.memory_space<vmem>>[vector<16xi32>], vector<16xf32>,
          %parallel_loop3A_524 = arith.constant 1 : i32
          %parallel_loop3A_525 = arith.index_cast %parallel_loop3A_524 : i32 to index
          %parallel_loop3A_526 = arith.index_cast %parallel_loop3A_518 : i32 to index
          %parallel_loop3A_527 = arith.constant 0 : index
          %parallel_loop3A_528 = tpu.vector_load %arg8[%parallel_loop3A_525, %parallel_loop3A_526, %parallel_loop3A_527] {strides = array<i32>} : memref<2x64x128xf32, #tpu.memory_space<vmem>>, vector<16xf32>,
          tpu.vector_store %arg8[%parallel_loop3A_525, %parallel_loop3A_526, %parallel_loop3A_527], %parallel_loop3A_523 {strides = array<i32>} : memref<2x64x128xf32, #tpu.memory_space<vmem>>, vector<16xf32>,
          %parallel_loop3A_529 = vector.broadcast %parallel_loop3A_520 : i32 to vector<16xi32>
          %parallel_loop3A_530 = arith.addi %select_n3A_346, %parallel_loop3A_529 : vector<16xi32>
          %parallel_loop3A_531 = tpu.vector_load_idx %arg6[%parallel_loop3A_530] : memref<3072xf32, #tpu.memory_space<vmem>>[vector<16xi32>], vector<16xf32>,
          %parallel_loop3A_532 = arith.constant 1 : i32
          %parallel_loop3A_533 = arith.index_cast %parallel_loop3A_532 : i32 to index
          %parallel_loop3A_534 = arith.index_cast %parallel_loop3A_518 : i32 to index
          %parallel_loop3A_535 = arith.constant 16 : index
          %parallel_loop3A_536 = tpu.vector_load %arg8[%parallel_loop3A_533, %parallel_loop3A_534, %parallel_loop3A_535] {strides = array<i32>} : memref<2x64x128xf32, #tpu.memory_space<vmem>>, vector<16xf32>,
          tpu.vector_store %arg8[%parallel_loop3A_533, %parallel_loop3A_534, %parallel_loop3A_535], %parallel_loop3A_531 {strides = array<i32>} : memref<2x64x128xf32, #tpu.memory_space<vmem>>, vector<16xf32>,
          %parallel_loop3A_537 = vector.broadcast %parallel_loop3A_520 : i32 to vector<16xi32>
          %parallel_loop3A_538 = arith.addi %select_n3A_369, %parallel_loop3A_537 : vector<16xi32>
          %parallel_loop3A_539 = tpu.vector_load_idx %arg6[%parallel_loop3A_538] : memref<3072xf32, #tpu.memory_space<vmem>>[vector<16xi32>], vector<16xf32>,
          %parallel_loop3A_540 = arith.constant 1 : i32
          %parallel_loop3A_541 = arith.index_cast %parallel_loop3A_540 : i32 to index
          %parallel_loop3A_542 = arith.index_cast %parallel_loop3A_518 : i32 to index
          %parallel_loop3A_543 = arith.constant 32 : index
          %parallel_loop3A_544 = tpu.vector_load %arg8[%parallel_loop3A_541, %parallel_loop3A_542, %parallel_loop3A_543] {strides = array<i32>} : memref<2x64x128xf32, #tpu.memory_space<vmem>>, vector<16xf32>,
          tpu.vector_store %arg8[%parallel_loop3A_541, %parallel_loop3A_542, %parallel_loop3A_543], %parallel_loop3A_539 {strides = array<i32>} : memref<2x64x128xf32, #tpu.memory_space<vmem>>, vector<16xf32>,
          %parallel_loop3A_545 = vector.broadcast %parallel_loop3A_520 : i32 to vector<16xi32>
          %parallel_loop3A_546 = arith.addi %select_n3A_392, %parallel_loop3A_545 : vector<16xi32>
          %parallel_loop3A_547 = tpu.vector_load_idx %arg6[%parallel_loop3A_546] : memref<3072xf32, #tpu.memory_space<vmem>>[vector<16xi32>], vector<16xf32>,
          %parallel_loop3A_548 = arith.constant 1 : i32
          %parallel_loop3A_549 = arith.index_cast %parallel_loop3A_548 : i32 to index
          %parallel_loop3A_550 = arith.index_cast %parallel_loop3A_518 : i32 to index
          %parallel_loop3A_551 = arith.constant 48 : index
          %parallel_loop3A_552 = tpu.vector_load %arg8[%parallel_loop3A_549, %parallel_loop3A_550, %parallel_loop3A_551] {strides = array<i32>} : memref<2x64x128xf32, #tpu.memory_space<vmem>>, vector<16xf32>,
          tpu.vector_store %arg8[%parallel_loop3A_549, %parallel_loop3A_550, %parallel_loop3A_551], %parallel_loop3A_547 {strides = array<i32>} : memref<2x64x128xf32, #tpu.memory_space<vmem>>, vector<16xf32>,
          %parallel_loop3A_553 = vector.broadcast %parallel_loop3A_520 : i32 to vector<16xi32>
          %parallel_loop3A_554 = arith.addi %select_n3A_415, %parallel_loop3A_553 : vector<16xi32>
          %parallel_loop3A_555 = tpu.vector_load_idx %arg6[%parallel_loop3A_554] : memref<3072xf32, #tpu.memory_space<vmem>>[vector<16xi32>], vector<16xf32>,
          %parallel_loop3A_556 = arith.constant 1 : i32
          %parallel_loop3A_557 = arith.index_cast %parallel_loop3A_556 : i32 to index
          %parallel_loop3A_558 = arith.index_cast %parallel_loop3A_518 : i32 to index
          %parallel_loop3A_559 = arith.constant 64 : index
          %parallel_loop3A_560 = tpu.vector_load %arg8[%parallel_loop3A_557, %parallel_loop3A_558, %parallel_loop3A_559] {strides = array<i32>} : memref<2x64x128xf32, #tpu.memory_space<vmem>>, vector<16xf32>,
          tpu.vector_store %arg8[%parallel_loop3A_557, %parallel_loop3A_558, %parallel_loop3A_559], %parallel_loop3A_555 {strides = array<i32>} : memref<2x64x128xf32, #tpu.memory_space<vmem>>, vector<16xf32>,
          %parallel_loop3A_561 = vector.broadcast %parallel_loop3A_520 : i32 to vector<16xi32>
          %parallel_loop3A_562 = arith.addi %select_n3A_438, %parallel_loop3A_561 : vector<16xi32>
          %parallel_loop3A_563 = tpu.vector_load_idx %arg6[%parallel_loop3A_562] : memref<3072xf32, #tpu.memory_space<vmem>>[vector<16xi32>], vector<16xf32>,
          %parallel_loop3A_564 = arith.constant 1 : i32
          %parallel_loop3A_565 = arith.index_cast %parallel_loop3A_564 : i32 to index
          %parallel_loop3A_566 = arith.index_cast %parallel_loop3A_518 : i32 to index
          %parallel_loop3A_567 = arith.constant 80 : index
          %parallel_loop3A_568 = tpu.vector_load %arg8[%parallel_loop3A_565, %parallel_loop3A_566, %parallel_loop3A_567] {strides = array<i32>} : memref<2x64x128xf32, #tpu.memory_space<vmem>>, vector<16xf32>,
          tpu.vector_store %arg8[%parallel_loop3A_565, %parallel_loop3A_566, %parallel_loop3A_567], %parallel_loop3A_563 {strides = array<i32>} : memref<2x64x128xf32, #tpu.memory_space<vmem>>, vector<16xf32>,
          %parallel_loop3A_569 = vector.broadcast %parallel_loop3A_520 : i32 to vector<16xi32>
          %parallel_loop3A_570 = arith.addi %select_n3A_461, %parallel_loop3A_569 : vector<16xi32>
          %parallel_loop3A_571 = tpu.vector_load_idx %arg6[%parallel_loop3A_570] : memref<3072xf32, #tpu.memory_space<vmem>>[vector<16xi32>], vector<16xf32>,
          %parallel_loop3A_572 = arith.constant 1 : i32
          %parallel_loop3A_573 = arith.index_cast %parallel_loop3A_572 : i32 to index
          %parallel_loop3A_574 = arith.index_cast %parallel_loop3A_518 : i32 to index
          %parallel_loop3A_575 = arith.constant 96 : index
          %parallel_loop3A_576 = tpu.vector_load %arg8[%parallel_loop3A_573, %parallel_loop3A_574, %parallel_loop3A_575] {strides = array<i32>} : memref<2x64x128xf32, #tpu.memory_space<vmem>>, vector<16xf32>,
          tpu.vector_store %arg8[%parallel_loop3A_573, %parallel_loop3A_574, %parallel_loop3A_575], %parallel_loop3A_571 {strides = array<i32>} : memref<2x64x128xf32, #tpu.memory_space<vmem>>, vector<16xf32>,
          %parallel_loop3A_577 = vector.broadcast %parallel_loop3A_520 : i32 to vector<16xi32>
          %parallel_loop3A_578 = arith.addi %select_n3A_484, %parallel_loop3A_577 : vector<16xi32>
          %parallel_loop3A_579 = tpu.vector_load_idx %arg6[%parallel_loop3A_578] : memref<3072xf32, #tpu.memory_space<vmem>>[vector<16xi32>], vector<16xf32>,
          %parallel_loop3A_580 = arith.constant 1 : i32
          %parallel_loop3A_581 = arith.index_cast %parallel_loop3A_580 : i32 to index
          %parallel_loop3A_582 = arith.index_cast %parallel_loop3A_518 : i32 to index
          %parallel_loop3A_583 = arith.constant 112 : index
          %parallel_loop3A_584 = tpu.vector_load %arg8[%parallel_loop3A_581, %parallel_loop3A_582, %parallel_loop3A_583] {strides = array<i32>} : memref<2x64x128xf32, #tpu.memory_space<vmem>>, vector<16xf32>,
          tpu.vector_store %arg8[%parallel_loop3A_581, %parallel_loop3A_582, %parallel_loop3A_583], %parallel_loop3A_579 {strides = array<i32>} : memref<2x64x128xf32, #tpu.memory_space<vmem>>, vector<16xf32>,
        } {sc.loop_unroll_factor = 8 : i64, sc.parallel_access}
        %dma_start3A_492 = arith.constant 1 : i32
        %dma_start3A_493 = arith.constant 0 : i32
        %dma_start3A_494 = arith.constant 0 : i32
        %dma_start3A_495 = tpu.memref_slice %arg8[%dma_start3A_492, %dma_start3A_493, %dma_start3A_494] : memref<2x64x128xf32, #tpu.memory_space<vmem>> -> memref<1x64x128xf32, #tpu.memory_space<vmem>>
        %dma_start3A_496 = tpu.memref_squeeze %dma_start3A_495 : memref<1x64x128xf32, #tpu.memory_space<vmem>> -> memref<64x128xf32, #tpu.memory_space<vmem>>
        %dma_start3A_497 = arith.constant 0 : i32
        %dma_start3A_498 = tpu.memref_slice %arg4[%scan3A_72, %add3A_296, %dma_start3A_497, %mul3A_2] : memref<26x20x64x4096xf32, #tpu.memory_space<hbm>> -> memref<1x1x64x128xf32, #tpu.memory_space<hbm>>
        %dma_start3A_499 = tpu.memref_squeeze %dma_start3A_498 : memref<1x1x64x128xf32, #tpu.memory_space<hbm>> -> memref<64x128xf32, #tpu.memory_space<hbm>>
        %dma_start3A_500 = arith.constant 0 : i32
        %dma_start3A_501 = tpu.memref_slice %arg4[%scan3A_72, %add3A_296, %dma_start3A_500, %mul3A_2] : memref<26x20x64x4096xf32, #tpu.memory_space<hbm>> -> memref<1x1x64x128xf32, #tpu.memory_space<hbm>>
        %dma_start3A_502 = tpu.memref_squeeze %dma_start3A_501 : memref<1x1x64x128xf32, #tpu.memory_space<hbm>> -> memref<64x128xf32, #tpu.memory_space<hbm>>
        %dma_start3A_503 = arith.constant 0 : i32
        %dma_start3A_504 = arith.constant 0 : i32
        %dma_start3A_505 = tpu.memref_slice %arg8[%dma_start3A_492, %dma_start3A_503, %dma_start3A_504] : memref<2x64x128xf32, #tpu.memory_space<vmem>> -> memref<1x64x128xf32, #tpu.memory_space<vmem>>
        %dma_start3A_506 = tpu.memref_squeeze %dma_start3A_505 : memref<1x64x128xf32, #tpu.memory_space<vmem>> -> memref<64x128xf32, #tpu.memory_space<vmem>>
        tpu.enqueue_dma source(%dma_start3A_506 : memref<64x128xf32, #tpu.memory_space<vmem>>) target(%dma_start3A_502 : memref<64x128xf32, #tpu.memory_space<hbm>>) target_semaphore(%arg11 : memref<!tpu.dma_semaphore, #tpu.memory_space<semaphore_mem>>)
        %dma_start3A_507 = arith.constant 1 : i32
        %dma_start3A_508 = arith.constant 0 : i32
        %dma_start3A_509 = tpu.memref_slice %arg9[%dma_start3A_507, %dma_start3A_508] : memref<2x128xi32, #tpu.memory_space<vmem>> -> memref<1x128xi32, #tpu.memory_space<vmem>>
        %dma_start3A_510 = tpu.memref_squeeze %dma_start3A_509 : memref<1x128xi32, #tpu.memory_space<vmem>> -> memref<128xi32, #tpu.memory_space<vmem>>
        %dma_start3A_511 = tpu.memref_slice %arg5[%scan3A_72, %add3A_296, %mul3A_2] : memref<26x20x4096xi32, #tpu.memory_space<hbm>> -> memref<1x1x128xi32, #tpu.memory_space<hbm>>
        %dma_start3A_512 = tpu.memref_squeeze %dma_start3A_511 : memref<1x1x128xi32, #tpu.memory_space<hbm>> -> memref<128xi32, #tpu.memory_space<hbm>>
        %dma_start3A_513 = tpu.memref_slice %arg5[%scan3A_72, %add3A_296, %mul3A_2] : memref<26x20x4096xi32, #tpu.memory_space<hbm>> -> memref<1x1x128xi32, #tpu.memory_space<hbm>>
        %dma_start3A_514 = tpu.memref_squeeze %dma_start3A_513 : memref<1x1x128xi32, #tpu.memory_space<hbm>> -> memref<128xi32, #tpu.memory_space<hbm>>
        %dma_start3A_515 = arith.constant 0 : i32
        %dma_start3A_516 = tpu.memref_slice %arg9[%dma_start3A_507, %dma_start3A_515] : memref<2x128xi32, #tpu.memory_space<vmem>> -> memref<1x128xi32, #tpu.memory_space<vmem>>
        %dma_start3A_517 = tpu.memref_squeeze %dma_start3A_516 : memref<1x128xi32, #tpu.memory_space<vmem>> -> memref<128xi32, #tpu.memory_space<vmem>>
        tpu.enqueue_dma source(%dma_start3A_517 : memref<128xi32, #tpu.memory_space<vmem>>) target(%dma_start3A_514 : memref<128xi32, #tpu.memory_space<hbm>>) target_semaphore(%arg13 : memref<!tpu.dma_semaphore, #tpu.memory_space<semaphore_mem>>)
      }
      %scan3A_78 = arith.constant 10 : i32
    }
    %scan3A_12 = arith.constant 26 : i32
    %dma_wait3A = arith.constant 0 : i32
    %dma_wait3A_13 = arith.constant 25 : i32
    %dma_wait3A_14 = arith.constant 18 : i32
    %dma_wait3A_15 = arith.constant 0 : i32
    %dma_wait3A_16 = arith.constant 0 : i32
    %dma_wait3A_17 = tpu.memref_slice %arg8[%dma_wait3A, %dma_wait3A_15, %dma_wait3A_16] : memref<2x64x128xf32, #tpu.memory_space<vmem>> -> memref<1x64x128xf32, #tpu.memory_space<vmem>>
    %dma_wait3A_18 = tpu.memref_squeeze %dma_wait3A_17 : memref<1x64x128xf32, #tpu.memory_space<vmem>> -> memref<64x128xf32, #tpu.memory_space<vmem>>
    %dma_wait3A_19 = arith.constant 0 : i32
    %dma_wait3A_20 = tpu.memref_slice %arg4[%dma_wait3A_13, %dma_wait3A_14, %dma_wait3A_19, %mul3A_2] : memref<26x20x64x4096xf32, #tpu.memory_space<hbm>> -> memref<1x1x64x128xf32, #tpu.memory_space<hbm>>
    %dma_wait3A_21 = tpu.memref_squeeze %dma_wait3A_20 : memref<1x1x64x128xf32, #tpu.memory_space<hbm>> -> memref<64x128xf32, #tpu.memory_space<hbm>>
    %dma_wait3A_22 = arith.constant 0 : i32
    %dma_wait3A_23 = tpu.memref_slice %arg4[%dma_wait3A_13, %dma_wait3A_14, %dma_wait3A_22, %mul3A_2] : memref<26x20x64x4096xf32, #tpu.memory_space<hbm>> -> memref<1x1x64x128xf32, #tpu.memory_space<hbm>>
    %dma_wait3A_24 = tpu.memref_squeeze %dma_wait3A_23 : memref<1x1x64x128xf32, #tpu.memory_space<hbm>> -> memref<64x128xf32, #tpu.memory_space<hbm>>
    %dma_wait3A_25 = arith.constant 0 : i32
    %dma_wait3A_26 = arith.constant 0 : i32
    %dma_wait3A_27 = tpu.memref_slice %arg8[%dma_wait3A, %dma_wait3A_25, %dma_wait3A_26] : memref<2x64x128xf32, #tpu.memory_space<vmem>> -> memref<1x64x128xf32, #tpu.memory_space<vmem>>
    %dma_wait3A_28 = tpu.memref_squeeze %dma_wait3A_27 : memref<1x64x128xf32, #tpu.memory_space<vmem>> -> memref<64x128xf32, #tpu.memory_space<vmem>>
    tpu.wait_dma2 semaphore(%arg10 : memref<!tpu.dma_semaphore, #tpu.memory_space<semaphore_mem>>) src(%dma_wait3A_28 : memref<64x128xf32, #tpu.memory_space<vmem>>) dst(%dma_wait3A_24 : memref<64x128xf32, #tpu.memory_space<hbm>>)
    %dma_wait3A_29 = arith.constant 1 : i32
    %dma_wait3A_30 = arith.constant 25 : i32
    %dma_wait3A_31 = arith.constant 19 : i32
    %dma_wait3A_32 = arith.constant 0 : i32
    %dma_wait3A_33 = arith.constant 0 : i32
    %dma_wait3A_34 = tpu.memref_slice %arg8[%dma_wait3A_29, %dma_wait3A_32, %dma_wait3A_33] : memref<2x64x128xf32, #tpu.memory_space<vmem>> -> memref<1x64x128xf32, #tpu.memory_space<vmem>>
    %dma_wait3A_35 = tpu.memref_squeeze %dma_wait3A_34 : memref<1x64x128xf32, #tpu.memory_space<vmem>> -> memref<64x128xf32, #tpu.memory_space<vmem>>
    %dma_wait3A_36 = arith.constant 0 : i32
    %dma_wait3A_37 = tpu.memref_slice %arg4[%dma_wait3A_30, %dma_wait3A_31, %dma_wait3A_36, %mul3A_2] : memref<26x20x64x4096xf32, #tpu.memory_space<hbm>> -> memref<1x1x64x128xf32, #tpu.memory_space<hbm>>
    %dma_wait3A_38 = tpu.memref_squeeze %dma_wait3A_37 : memref<1x1x64x128xf32, #tpu.memory_space<hbm>> -> memref<64x128xf32, #tpu.memory_space<hbm>>
    %dma_wait3A_39 = arith.constant 0 : i32
    %dma_wait3A_40 = tpu.memref_slice %arg4[%dma_wait3A_30, %dma_wait3A_31, %dma_wait3A_39, %mul3A_2] : memref<26x20x64x4096xf32, #tpu.memory_space<hbm>> -> memref<1x1x64x128xf32, #tpu.memory_space<hbm>>
    %dma_wait3A_41 = tpu.memref_squeeze %dma_wait3A_40 : memref<1x1x64x128xf32, #tpu.memory_space<hbm>> -> memref<64x128xf32, #tpu.memory_space<hbm>>
    %dma_wait3A_42 = arith.constant 0 : i32
    %dma_wait3A_43 = arith.constant 0 : i32
    %dma_wait3A_44 = tpu.memref_slice %arg8[%dma_wait3A_29, %dma_wait3A_42, %dma_wait3A_43] : memref<2x64x128xf32, #tpu.memory_space<vmem>> -> memref<1x64x128xf32, #tpu.memory_space<vmem>>
    %dma_wait3A_45 = tpu.memref_squeeze %dma_wait3A_44 : memref<1x64x128xf32, #tpu.memory_space<vmem>> -> memref<64x128xf32, #tpu.memory_space<vmem>>
    tpu.wait_dma2 semaphore(%arg11 : memref<!tpu.dma_semaphore, #tpu.memory_space<semaphore_mem>>) src(%dma_wait3A_45 : memref<64x128xf32, #tpu.memory_space<vmem>>) dst(%dma_wait3A_41 : memref<64x128xf32, #tpu.memory_space<hbm>>)
    %dma_wait3A_46 = arith.constant 0 : i32
    %dma_wait3A_47 = arith.constant 25 : i32
    %dma_wait3A_48 = arith.constant 18 : i32
    %dma_wait3A_49 = arith.constant 0 : i32
    %dma_wait3A_50 = tpu.memref_slice %arg9[%dma_wait3A_46, %dma_wait3A_49] : memref<2x128xi32, #tpu.memory_space<vmem>> -> memref<1x128xi32, #tpu.memory_space<vmem>>
    %dma_wait3A_51 = tpu.memref_squeeze %dma_wait3A_50 : memref<1x128xi32, #tpu.memory_space<vmem>> -> memref<128xi32, #tpu.memory_space<vmem>>
    %dma_wait3A_52 = tpu.memref_slice %arg5[%dma_wait3A_47, %dma_wait3A_48, %mul3A_2] : memref<26x20x4096xi32, #tpu.memory_space<hbm>> -> memref<1x1x128xi32, #tpu.memory_space<hbm>>
    %dma_wait3A_53 = tpu.memref_squeeze %dma_wait3A_52 : memref<1x1x128xi32, #tpu.memory_space<hbm>> -> memref<128xi32, #tpu.memory_space<hbm>>
    %dma_wait3A_54 = tpu.memref_slice %arg5[%dma_wait3A_47, %dma_wait3A_48, %mul3A_2] : memref<26x20x4096xi32, #tpu.memory_space<hbm>> -> memref<1x1x128xi32, #tpu.memory_space<hbm>>
    %dma_wait3A_55 = tpu.memref_squeeze %dma_wait3A_54 : memref<1x1x128xi32, #tpu.memory_space<hbm>> -> memref<128xi32, #tpu.memory_space<hbm>>
    %dma_wait3A_56 = arith.constant 0 : i32
    %dma_wait3A_57 = tpu.memref_slice %arg9[%dma_wait3A_46, %dma_wait3A_56] : memref<2x128xi32, #tpu.memory_space<vmem>> -> memref<1x128xi32, #tpu.memory_space<vmem>>
    %dma_wait3A_58 = tpu.memref_squeeze %dma_wait3A_57 : memref<1x128xi32, #tpu.memory_space<vmem>> -> memref<128xi32, #tpu.memory_space<vmem>>
    tpu.wait_dma2 semaphore(%arg12 : memref<!tpu.dma_semaphore, #tpu.memory_space<semaphore_mem>>) src(%dma_wait3A_58 : memref<128xi32, #tpu.memory_space<vmem>>) dst(%dma_wait3A_55 : memref<128xi32, #tpu.memory_space<hbm>>)
    %dma_wait3A_59 = arith.constant 1 : i32
    %dma_wait3A_60 = arith.constant 25 : i32
    %dma_wait3A_61 = arith.constant 19 : i32
    %dma_wait3A_62 = arith.constant 0 : i32
    %dma_wait3A_63 = tpu.memref_slice %arg9[%dma_wait3A_59, %dma_wait3A_62] : memref<2x128xi32, #tpu.memory_space<vmem>> -> memref<1x128xi32, #tpu.memory_space<vmem>>
    %dma_wait3A_64 = tpu.memref_squeeze %dma_wait3A_63 : memref<1x128xi32, #tpu.memory_space<vmem>> -> memref<128xi32, #tpu.memory_space<vmem>>
    %dma_wait3A_65 = tpu.memref_slice %arg5[%dma_wait3A_60, %dma_wait3A_61, %mul3A_2] : memref<26x20x4096xi32, #tpu.memory_space<hbm>> -> memref<1x1x128xi32, #tpu.memory_space<hbm>>
    %dma_wait3A_66 = tpu.memref_squeeze %dma_wait3A_65 : memref<1x1x128xi32, #tpu.memory_space<hbm>> -> memref<128xi32, #tpu.memory_space<hbm>>
    %dma_wait3A_67 = tpu.memref_slice %arg5[%dma_wait3A_60, %dma_wait3A_61, %mul3A_2] : memref<26x20x4096xi32, #tpu.memory_space<hbm>> -> memref<1x1x128xi32, #tpu.memory_space<hbm>>
    %dma_wait3A_68 = tpu.memref_squeeze %dma_wait3A_67 : memref<1x1x128xi32, #tpu.memory_space<hbm>> -> memref<128xi32, #tpu.memory_space<hbm>>
    %dma_wait3A_69 = arith.constant 0 : i32
    %dma_wait3A_70 = tpu.memref_slice %arg9[%dma_wait3A_59, %dma_wait3A_69] : memref<2x128xi32, #tpu.memory_space<vmem>> -> memref<1x128xi32, #tpu.memory_space<vmem>>
    %dma_wait3A_71 = tpu.memref_squeeze %dma_wait3A_70 : memref<1x128xi32, #tpu.memory_space<vmem>> -> memref<128xi32, #tpu.memory_space<vmem>>
    tpu.wait_dma2 semaphore(%arg13 : memref<!tpu.dma_semaphore, #tpu.memory_space<semaphore_mem>>) src(%dma_wait3A_71 : memref<128xi32, #tpu.memory_space<vmem>>) dst(%dma_wait3A_68 : memref<128xi32, #tpu.memory_space<hbm>>)
    return
  }
}

</mosaic_0001>

<sc_bundles>
// kernel: kernel.3.cloned.1.call-start
scs
__scs_entry_jumppad:
0x0: {  	(pc) =	sbr.rel $0x88, $3  }
0x1: {  	(tag) =	ssettag $0x0;
	lr =	simm.s32 $0x1  }
0x2: {  	[smem:$0x3F9F] =	sst lr;
	_ =	strace $0xD0000000  }
0x3: {  	_ = 	snop  }
0x4: {  	_ = 	snop  }
0x5: {  	_ = 	snop  }
0x6: {  	_ = 	snop  }
0x7: {  	_ = 	snop  }
__scs_overlays_trampoline_lowered:
0x8: {  	[smem:$0x3FAE] =	sst s0  }
0x9: {  	[smem:$0x3FAF] =	sst s1  }
0xa: {  	[smem:$0x3FB0] =	sst s2  }
0xb: {  	[smem:$0x3FB1] =	sst s3  }
0xc: {  	[smem:$0x3FB2] =	sst s4  }
0xd: {  	[smem:$0x3FB3] =	sst s5  }
0xe: {  	[smem:$0x3FB4] =	sst s6  }
0xf: {  	[smem:$0x3FB5] =	sst s7  }
0x10: {  	[smem:$0x3FB6] =	sst s8  }
0x11: {  	[smem:$0x3FB7] =	sst s9;
	s0 =	simm.s32 @!p0 $0x0  }
0x12: {  	s1 =	sld [smem:$0x3F9D];
	s0 =	simm.s32 @p0 $0x1  }
0x13: {  	[smem:$0x3FB8] =	sst s0;
	s0 =	simm.s32 @!p1 $0x0  }
0x14: {  	s2 =	sld [smem:$0x3F9C];
	s0 =	simm.s32 @p1 $0x1  }
0x15: {  	[smem:$0x3FB9] =	sst s0;
	s0 =	simm.s32 @!p2 $0x0  }
0x16: {  	s3 =	sld [smem:$0x3FDB];
	s0 =	simm.s32 @p2 $0x1  }
0x17: {  	s4 =	simm.s32 $0x1BF5;
	[smem:$0x3FBB] =	sst s0  }
0x18: {  	s0 =	sld [smem:$0x3F9E];
	_ =	swait.ge [sflag:s4], $0x0  }
0x19: {  	s7 =	sld [smem:$0x3F9F]  }
0x1a: {  	s8 =	sadd.s32 $0xFFFFE003, lr  }
0x1b: {  	s9 =	sadd.s32 $0xFFFFFEF7, lr;
	s5 =	simm.s32 $0xFFFFFFFF;
	p2 =	slt.u32 s8, $0xFFFFF086  }
0x1c: {  	p1 =	slt.u32 s9, $0xF7A;
	s5 =	simm.s32 @!p2 $0x0  }
0x1d: {  	s5 =	simm.s32 @p1 $0x1;
	p0 =	seq.s32 s7, s2  }
0x1e: {  	s7 =	smul.u32 @!p0 $0xF7A, s2;
	p2 =	seq.s32 @!p0 s5, $0x0  }
0x1f: {  	s9 =	smul.u32 $0xF7A, s1;
	s8 =	simm.s32 @!p0 $0x1BF5;
	p2 =	por !p2, p0  }
0x20: {  	[sflag:s8] =	ssyncset.s32 @!p0 $0xFFFFF086;
	s6 =	sadd.s32 @!p0 s3, s7;
	s7 =	simm.s32 @!p0 $0x108  }
0x21: {  	s3 =	sadd.s32 s3, s9;
	s6 =	sadd.s32 @!p0 $0x88, s6;
	s7 =	simm.s32 @p2 $0x1082  }
0x22: {  	[simem:s7], [sflag:s8] =	dma.local @!p0 [hbm:s6], $0xF7A  }
0x23: {  	s9 =	sor.u32 $0xD0000000, s2;
	s6 =	simm.s32 $0x108;
	_ =	swait.ge @!p0 [sflag:s8], $0x0  }
0x24: {  	s3 =	sadd.s32 $0x88, s3;
	s6 =	simm.s32 @!p1 $0x1082;
	[sflag:s4] =	ssyncset.s32 $0xFFFFF086  }
0x25: {  	[simem:s6], [sflag:s4] =	dma.local [hbm:s3], $0xF7A  }
0x26: {  	[smem:$0x3F9F] =	sst s1;
	(tag) =	ssettag s2;
	_ =	strace s9  }
0x27: {  	s1 =	sld [smem:$0x3FAF]  }
0x28: {  	s2 =	sld [smem:$0x3FB0]  }
0x29: {  	s4 =	sld [smem:$0x3FB2]  }
0x2a: {  	p0 =	seq.s32 s5, $0x0;
	s5 =	sld [smem:$0x3FB3]  }
0x2b: {  	s6 =	sld [smem:$0x3FB4]  }
0x2c: {  	s7 =	sld [smem:$0x3FB5]  }
0x2d: {  	s3 =	simm.s32 $0x108;
	s8 =	sld [smem:$0x3FB6]  }
0x2e: {  	s3 =	simm.s32 @!p0 $0x1082;
	s9 =	sld [smem:$0x3FB7]  }
0x2f: {  	lr =	sadd.s32 s0, s3;
	s0 =	sld [smem:$0x3FAE]  }
0x30: {  	s3 =	sld [smem:$0x3FB1]  }
0x31: {  	[smem:$0x3FBA] =	sst s10  }
0x32: {  	s10 =	sld [smem:$0x3FB8];
	_ =	sdelay $0x3  }
0x33: {  	p0 =	seq.s32 s10, $0x1;
	s10 =	sld [smem:$0x3FBA];
	_ =	sdelay $0x3  }
0x34: {  	[smem:$0x3FBA] =	sst s10  }
0x35: {  	s10 =	sld [smem:$0x3FB9];
	_ =	sdelay $0x3  }
0x36: {  	p1 =	seq.s32 s10, $0x1;
	s10 =	sld [smem:$0x3FBA];
	_ =	sdelay $0x3  }
0x37: {  	[smem:$0x3FBA] =	sst s10  }
0x38: {  	s10 =	sld [smem:$0x3FBB]  }
0x39: {  	_ = 	snop;
	(pc) =	sbr.ind lr, $3  }
0x3a: {  	_ = 	snop  }
0x3b: {  	_ = 	snop  }
0x3c: {  	p2 =	seq.s32 s10, $0x1;
	s10 =	sld [smem:$0x3FBA]  }
0x3d: {  	_ =	shalt  }
0x3e: {  	_ =	shalt  }
0x3f: {  	_ =	shalt  }
0x40: {  	_ =	shalt  }
0x41: {  	_ =	shalt  }
0x42: {  	_ =	shalt  }
0x43: {  	_ =	shalt  }
0x44: {  	_ =	shalt  }
0x45: {  	_ =	shalt  }
0x46: {  	_ =	shalt  }
0x47: {  	_ =	shalt  }
0x48: {  	_ =	shalt  }
0x49: {  	_ =	shalt  }
0x4a: {  	_ =	shalt  }
0x4b: {  	_ =	shalt  }
0x4c: {  	_ =	shalt  }
0x4d: {  	_ =	shalt  }
0x4e: {  	_ =	shalt  }
0x4f: {  	_ =	shalt  }
0x50: {  	_ =	shalt  }
0x51: {  	_ =	shalt  }
0x52: {  	_ =	shalt  }
0x53: {  	_ =	shalt  }
0x54: {  	_ =	shalt  }
0x55: {  	_ =	shalt  }
0x56: {  	_ =	shalt  }
0x57: {  	_ =	shalt  }
0x58: {  	_ =	shalt  }
0x59: {  	_ =	shalt  }
0x5a: {  	_ =	shalt  }
0x5b: {  	_ =	shalt  }
0x5c: {  	_ =	shalt  }
0x5d: {  	_ =	shalt  }
0x5e: {  	_ =	shalt  }
0x5f: {  	_ =	shalt  }
0x60: {  	_ =	shalt  }
0x61: {  	_ =	shalt  }
0x62: {  	_ =	shalt  }
0x63: {  	_ =	shalt  }
0x64: {  	_ =	shalt  }
0x65: {  	_ =	shalt  }
0x66: {  	_ =	shalt  }
0x67: {  	_ =	shalt  }
0x68: {  	_ =	shalt  }
0x69: {  	_ =	shalt  }
0x6a: {  	_ =	shalt  }
0x6b: {  	_ =	shalt  }
0x6c: {  	_ =	shalt  }
0x6d: {  	_ =	shalt  }
0x6e: {  	_ =	shalt  }
0x6f: {  	_ =	shalt  }
0x70: {  	_ =	shalt  }
0x71: {  	_ =	shalt  }
0x72: {  	_ =	shalt  }
0x73: {  	_ =	shalt  }
0x74: {  	_ =	shalt  }
0x75: {  	_ =	shalt  }
0x76: {  	_ =	shalt  }
0x77: {  	_ =	shalt  }
0x78: {  	_ =	shalt  }
0x79: {  	_ =	shalt  }
0x7a: {  	_ =	shalt  }
0x7b: {  	_ =	shalt  }
0x7c: {  	_ =	shalt  }
0x7d: {  	_ =	shalt  }
0x7e: {  	_ =	shalt  }
0x7f: {  	_ =	shalt  }
0x80: {  	_ =	shalt  }
0x81: {  	_ =	shalt  }
0x82: {  	_ =	shalt  }
0x83: {  	_ =	shalt  }
0x84: {  	_ =	shalt  }
0x85: {  	_ =	shalt  }
0x86: {  	_ =	shalt  }
0x87: {  	_ =	shalt  }
.Lfunc_end0:
.L_simem_size_0:
called_computation_lowered:
.L_overlay_start_0:
0x88: {  	s2 =	sld [smem:$0x3FD9]  }
0x89: {  	s3 =	sld [smem:$0x3FFE];
	_ =	sdelay $0x1  }
0x8a: {  	s1 =	srdreg.scid  }
0x8b: {  	s0 =	sand.u32 $0x1, s1  }
0x8c: {  	s14 =	sshll.u32 s0, $0xA;
	s2 =	sadd.s32 s3, s2  }
0x8d: {  	s2 =	sadd.s32 s2, s14  }
0x8e: {  	[smem:$0x3FC6] =	sst s2  }
0x8f: {  	_ = 	snop  }
0x90: {  	s2 =	sld [smem:$0x3FD0];
	_ =	sdelay $0x2  }
0x91: {  	s15 =	simm.s32 $0xA;
	s4 =	simm.s32 $0x10  }
0x92: {  	[smem:s4], [sflag:s15] =	dma.local [hbm:s2], $0x1  }
0x93: {  	_ =	swait.eq [sflag:s15], $0x1  }
0x94: {  	[sflag:s15] =	ssyncset.done $0x0  }
0x95: {  	s16 =	sld [smem:$0x10];
	[sflag:s15] =	ssyncadd.s32 $0xFFFFFFFF  }
0x96: {  	s17 =	sld [smem:$0x11];
	(tm) =	ssettm $0x1  }
0x97: {  	s18 =	sld [smem:$0x3FFB];
	_ =	sdelay $0x3  }
0x98: {  	_ =	strace s18  }
0x99: {  	s4 =	sld [smem:$0x3FFC];
	_ =	sdelay $0x3  }
0x9a: {  	_ =	strace s4  }
0x9b: {  	s4 =	sld [smem:$0x3FFD];
	_ =	sdelay $0x3  }
0x9c: {  	_ =	strace s4  }
0x9d: {  	_ =	strace $0x8FFFFFFF  }
0x9e: {  	s19 =	sld [smem:$0x3FDB];
	_ =	sdelay $0x1  }
0x9f: {  	s5 =	simm.s32 $_scs_section_size  }
0xa0: {  	s6 =	simm.s32 $_size__tile_overlayer_lowered;
	s7 =	simm.s32 $_tile_overlayer_lowered  }
0xa1: {  	s22 =	simm.s32 $0x1BFF;
	s21 =	sshll.u32 s7, $0x1;
	s4 =	sadd.s32 s5, s19  }
0xa2: {  	s8 =	simm.s32 $0x0;
	s20 =	sshll.u32 s6, $0x1;
	s6 =	sadd.s32 s21, s4  }
0xa3: {  	[timem:s8], [sflag:s22] =	dma.local [hbm:s6], s20  }
0xa4: {  	_ =	swait.ge [sflag:s22], s20  }
0xa5: {  	s5 =	ssub.s32 $0x0, s20;
	[sflag:s22] =	ssyncset.done $0x0  }
0xa6: {  	[sflag:s22] =	ssyncadd.s32 s5;
	_ =	sdelay $0x1  }
0xa7: {  	s23 =	simm.s32 $0x1B8B  }
0xa8: {  	_ =	swait.ge [sflag:s23], $0x1  }
0xa9: {  	[sflag:s23] =	ssyncset.done $0x0  }
0xaa: {  	s25 =	simm.s32 $0x1B8E;
	s24 =	sld [smem:$0x3FFE];
	[sflag:s23] =	ssyncadd.s32 $0xFFFFFFFF  }
0xab: {  	s26 =	simm.s32 $execute0_lowered;
	[smem:$0x3FD2] =	sst s25  }
0xac: {  	s6 =	sshll.u32 s26, $0x1;
	_ =	strace $0x80000046;
	[dreg:$0x1] =	wrdreg $0xFFFFFFFF  }
0xad: {  	s28 =	simm.s32 $_size_execute0_lowered;
	s4 =	sadd.s32 s4, s6;
	[dreg:$0x0] =	wrdreg $0x0  }
0xae: {  	s6 =	sshll.u32 s28, $0x1;
	[dreg:$0x2] =	wrdreg s4  }
0xaf: {  	[dreg:$0x3] =	wrdreg s6  }
0xb0: {  	[dreg:$0x4] =	wrdreg $0xC0  }
0xb1: {  	_ =	task [dreg:s8], $0x5FFFF  }
0xb2: {  	[dreg:$0x1] =	wrdreg $0xFFFFFFFF  }
0xb3: {  	[dreg:$0x0] =	wrdreg $0x60  }
0xb4: {  	[dreg:$0x2] =	wrdreg s24  }
0xb5: {  	[dreg:$0x3] =	wrdreg s16  }
0xb6: {  	[dreg:$0x4] =	wrdreg s17  }
0xb7: {  	[dreg:$0x5] =	wrdreg $0x9  }
0xb8: {  	_ =	task.clear_ibuf [dreg:s8], $0x6FFFF;
	_ =	strace $0x90000046  }
0xb9: {  	s29 =	simm.s32 $0x9;
	_ =	strace $0x80000048  }
0xba: {  	_ =	swait.ge [sflag:s29], $0x1  }
0xbb: {  	[sflag:s29] =	ssyncadd.s32 $0xFFFFFFFF  }
0xbc: {  	_ =	strace $0x90000048  }
0xbd: {  	_ =	sfence  }
0xbe: {  	s30 =	sld [smem:$0x0];
	_ =	sdelay $0x2  }
0xbf: {  	s31 =	sshll.u32 s1, $0xD;
	s1 =	sshrl.u32 s1, $0x2  }
0xc0: {  	s3 =	sand.u32 $0x4000, s31;
	s1 =	sadd.s32 s1, s30  }
0xc1: {  	s0 =	sor.u32 s3, s0;
	s1 =	sshll.u32 s1, $0x11  }
0xc2: {  	s0 =	sor.u32 s1, s0  }
0xc3: {  	s0 =	sadd.s32 $0x8F2B, s0  }
0xc4: {  	[sflag:s0] =	ssyncadd.remote.s32 $0x1  }
0xc5: {  	_ =	sfence.sel $0xFFFF  }
0xc6: {  	[dreg:$0x0] =	wrdreg $0xFFFFFFFF;
	(pc) =	sbr.abs _section_cstart, $3  }
0xc7: {  	[dreg:$0x1] =	wrdreg $0xFFFFFFFF  }
0xc8: {  	_ =	task.clear_ibuf [dreg:s8], $0x2FFFF;
	_ =	strace $0x9FFFFFFF  }
0xc9: {  	(tm) =	ssettm $0x7FFFFFFF  }
tec
execute0_lowered:
.L_overlay_start_1:
0x0: {  	(tag) =	ssettag $0x1  }
0x1: {  	s1 =	srdreg.scid;
	s2 =	stileid.u32  }
0x2: {  	s1 =	sand.u32 $0x1, s1;
	s2 =	sshll.u32 s2, $0x1  }
0x3: {  	s0 =	rddreg [dreg:$0x0];
	s4 =	simm.s32 $0x0;
	s2 =	sor.u32 s1, s2  }
0x4: {  	[smem:$0x7FF] =	sst s4;
	s3 =	smul.u32 $0x2080, s2  }
0x5: {  	s10 =	simm.s32 $0xC00;
	s1 =	ssub.s32 $0x2, s1;
	_ =	strace $0x80000047  }
0x6: {  	s5 =	sshrl.u32 s1, $0x1;
	s3 =	sadd.s32 s3, s0;
	s0 =	sadd.s32 $0xC00, s0  }
0x7: {  	s30 =	ssub.s32 s1, s5;
	[dreg:$0x4] =	wrdreg s0;
	s31 =	sadd.s32 $0xE00, s3  }
0x8: {  	v0 =	vlaneseq.u32;
	s7 =	sshll.u32 s2, $0xA;
	s0 =	smax.u32 s30, $0x1;
	[dreg:$0x5] =	wrdreg s31  }
0x9: {  	v1 =	vimm.s32 $0x0;
	v0 =	vmul.u32 $0x208, v0;
	s2 =	simm.s32 $0x0;
	s5 =	simm.s32 $0x0;
	[dreg:$0x6] =	wrdreg s0  }
.LBB2_1:
0xa: {  	[dreg:$0x7] =	wrdreg s2  }
0xb: {  	s0 =	rddreg [dreg:$0x4];
	s1 =	simm.s32 $0x5  }
0xc: {  	[tilespmem:s4], [sflag:$0x5] =	stream.linear.gather [hbm4b:s0+s4], $0xC00, $0x38;
	[tilespmem:$0x15100] =	vst v63  }
0xd: {  	_ =	swait.ge [sflag:s1], $0xC00  }
0xe: {  	[sflag:s1] =	ssyncset.done $0x0  }
0xf: {  	s31 =	rddreg [dreg:$0x5];
	[sflag:s1] =	ssyncadd.s32 $0xFFFFF400  }
0x10: {  	[tilespmem:s10], [sflag:$0x5] =	stream.linear.gather [hbm4b:s31+s4], $0x10400, $0x38;
	[tilespmem:$0x15100] =	vst v63  }
0x11: {  	_ =	swait.ge [sflag:s1], $0x10400  }
0x12: {  	[sflag:s1] =	ssyncset.done $0x0  }
0x13: {  	s2 =	simm.s32 $0x0;
	[sflag:s1] =	ssyncadd.s32 $0xFFFEFC00  }
.LBB2_2:
0x14: {  	s23 =	smul.u32 $0x14, s2  }
0x15: {  	s0 =	smul.u32 $0x500000, s2  }
0x16: {  	[dreg:$0x8] =	wrdreg s2;
	s22 =	smul.u32 $0x18000, s2;
	s6 =	simm.s32 $0x0  }
0x17: {  	s24 =	sadd.s32 $0x2080, s23;
	s25 =	sadd.s32 $0x4100, s23;
	s26 =	sadd.s32 $0x6180, s23  }
0x18: {  	s28 =	sadd.s32 $0x8200, s23;
	s29 =	sadd.s32 $0xA280, s23;
	s30 =	sadd.s32 $0xC300, s23  }
0x19: {  	s31 =	sadd.s32 $0xE380, s23;
	s1 =	sor.u32 s7, s0;
	[dreg:$0x9] =	wrdreg s22  }
.LBB2_3:
0x1a: {  	s8 =	sshll.u32 s6, $0x1  }
0x1b: {  	s2 =	sadd.s32 s23, s8  }
0x1c: {  	p0 =	seq.s32 s2, $0x0  }
0x1d: {  	s3 =	simm.s32 @!p0 $0x1  }
0x1e: {  	_ =	swait.ge @!p0 [sflag:s3], $0x2000  }
0x1f: {  	v2 =	vadd.s32 s2, v0;
	[sflag:s3] =	ssyncset.done @!p0 $0x0  }
0x20: {  	s2 =	simm.s32 @!p0 $0x3;
	[sflag:s3] =	ssyncadd.s32 @!p0 $0xFFFFE000  }
0x21: {  	_ =	swait.ge @!p0 [sflag:s2], $0x80  }
0x22: {  	[sflag:s2] =	ssyncset.done @!p0 $0x0  }
0x23: {  	[sflag:s2] =	ssyncadd.s32 @!p0 $0xFFFFFF80  }
0x24: {  	v2 =	vld.idx.msk [tilespmem:v2+s10+$0x0], $0xffff;
	_ =	sdelay $0x1  }
0x25: {  	s14 =	sadd.s32 s24, s8  }
0x26: {  	v3 =	vadd.s32 s14, v0;
	_ =	sdelay $0x1  }
0x27: {  	vm0 =	vne.s32 v2, $0xFFFFFFFF  }
0x28: {  	v4 =	vsel vm0, $0x1, v1  }
0x29: {  	[tilespmem:$0x15000] =	vst v4  }
0x2a: {  	v3 =	vld.idx.msk [tilespmem:v3+s10+$0x0], $0xffff;
	_ =	sdelay $0x1  }
0x2b: {  	s15 =	sadd.s32 s25, s8  }
0x2c: {  	v4 =	vadd.s32 s15, v0;
	_ =	sdelay $0x1  }
0x2d: {  	vm6 =	vne.s32 v3, $0xFFFFFFFF  }
0x2e: {  	v5 =	vsel vm6, $0x1, v1  }
0x2f: {  	[tilespmem:$0x15010] =	vst v5  }
0x30: {  	v4 =	vld.idx.msk [tilespmem:v4+s10+$0x0], $0xffff;
	_ =	sdelay $0x1  }
0x31: {  	s16 =	sadd.s32 s26, s8  }
0x32: {  	v5 =	vadd.s32 s16, v0;
	_ =	sdelay $0x1  }
0x33: {  	vm5 =	vne.s32 v4, $0xFFFFFFFF  }
0x34: {  	v6 =	vsel vm5, $0x1, v1  }
0x35: {  	[tilespmem:$0x15020] =	vst v6  }
0x36: {  	v5 =	vld.idx.msk [tilespmem:v5+s10+$0x0], $0xffff;
	_ =	sdelay $0x1  }
0x37: {  	s17 =	sadd.s32 s28, s8  }
0x38: {  	v6 =	vadd.s32 s17, v0;
	_ =	sdelay $0x1  }
0x39: {  	vm4 =	vne.s32 v5, $0xFFFFFFFF  }
0x3a: {  	v7 =	vsel vm4, $0x1, v1  }
0x3b: {  	[tilespmem:$0x15030] =	vst v7  }
0x3c: {  	v6 =	vld.idx.msk [tilespmem:v6+s10+$0x0], $0xffff;
	_ =	sdelay $0x1  }
0x3d: {  	s18 =	sadd.s32 s29, s8  }
0x3e: {  	v7 =	vadd.s32 s18, v0;
	_ =	sdelay $0x1  }
0x3f: {  	vm3 =	vne.s32 v6, $0xFFFFFFFF  }
0x40: {  	v8 =	vsel vm3, $0x1, v1  }
0x41: {  	[tilespmem:$0x15040] =	vst v8  }
0x42: {  	v7 =	vld.idx.msk [tilespmem:v7+s10+$0x0], $0xffff;
	_ =	sdelay $0x1  }
0x43: {  	s19 =	sadd.s32 s30, s8  }
0x44: {  	v8 =	vadd.s32 s19, v0;
	_ =	sdelay $0x1  }
0x45: {  	vm2 =	vne.s32 v7, $0xFFFFFFFF  }
0x46: {  	v9 =	vsel vm2, $0x1, v1  }
0x47: {  	[tilespmem:$0x15050] =	vst v9  }
0x48: {  	v8 =	vld.idx.msk [tilespmem:v8+s10+$0x0], $0xffff;
	_ =	sdelay $0x1  }
0x49: {  	s20 =	sadd.s32 s31, s8  }
0x4a: {  	v9 =	vadd.s32 s20, v0;
	_ =	sdelay $0x1  }
0x4b: {  	vm1 =	vne.s32 v8, $0xFFFFFFFF  }
0x4c: {  	v10 =	vsel vm1, $0x1, v1  }
0x4d: {  	[tilespmem:$0x15060] =	vst v10  }
0x4e: {  	v9 =	vld.idx.msk [tilespmem:v9+s10+$0x0], $0xffff;
	_ =	sdelay $0x2  }
0x4f: {  	v2 =	vnsel vm0, $0x2A, v2;
	s19 =	simm.s32 $0x30  }
0x50: {  	s13 =	simm.s32 $0xC0;
	v10 =	vadd.s32 s19, v2  }
0x51: {  	v11 =	vadd.s32 s13, v2;
	s18 =	simm.s32 $0x150;
	vm15 =	vne.s32 v9, $0xFFFFFFFF  }
0x52: {  	s21 =	simm.s32 $0xF0;
	v13 =	vadd.s32 s18, v2;
	v12 =	vsel vm15, $0x1, v1  }
0x53: {  	s9 =	simm.s32 $0x90;
	v14 =	vadd.s32 s21, v2;
	[tilespmem:$0x15070] =	vst v12  }
0x54: {  	s22 =	simm.s32 $0x60;
	v12 =	vadd.s32 s9, v2;
	v15 =	vld.idx.msk [tilespmem:v2+s4+$0x0], $0xffff  }
0x55: {  	v16 =	vadd.s32 s22, v2;
	v10 =	vld.idx.msk [tilespmem:v10+s4+$0x0], $0xffff  }
0x56: {  	v3 =	vnsel vm6, $0x2A, v3;
	v11 =	vld.idx.msk [tilespmem:v11+s4+$0x0], $0xffff  }
0x57: {  	v17 =	vadd.s32 s13, v3;
	v13 =	vld.idx.msk [tilespmem:v13+s4+$0x0], $0xffff  }
0x58: {  	v18 =	vadd.s32 s19, v3;
	s20 =	simm.s32 $0x120;
	v14 =	vld.idx.msk [tilespmem:v14+s4+$0x0], $0xffff  }
0x59: {  	s17 =	simm.s32 $0x11200;
	v20 =	vadd.s32 s20, v2;
	v12 =	vld.idx.msk [tilespmem:v12+s4+$0x0], $0xffff  }
0x5a: {  	v19 =	vadd.s32 s9, v3;
	v16 =	vld.idx.msk [tilespmem:v16+s4+$0x0], $0xffff;
	[tilespmem:s17+$0xFFFFFE00] =	vst v15  }
0x5b: {  	v15 =	vadd.s32 s21, v3;
	[tilespmem:s17+$0x0] =	vst v11;
	v21 =	vld.idx.msk [tilespmem:v3+s4+$0x0], $0xffff  }
0x5c: {  	v4 =	vnsel vm5, $0x2A, v4;
	[tilespmem:s17+$0xFFFFFE80] =	vst v10;
	v10 =	vld.idx.msk [tilespmem:v17+s4+$0x0], $0xffff  }
0x5d: {  	[tilespmem:s17+$0x80] =	vst v14;
	v17 =	vld.idx.msk [tilespmem:v18+s4+$0x0], $0xffff;
	v18 =	vadd.s32 s13, v4  }
0x5e: {  	v20 =	vld.idx.msk [tilespmem:v20+s4+$0x0], $0xffff;
	[tilespmem:s17+$0xFFFFFF80] =	vst v12  }
0x5f: {  	[tilespmem:s17+$0x180] =	vst v13;
	v12 =	vadd.s32 s22, v3;
	v14 =	vld.idx.msk [tilespmem:v19+s4+$0x0], $0xffff  }
0x60: {  	[tilespmem:s17+$0xFFFFFF00] =	vst v16;
	v15 =	vld.idx.msk [tilespmem:v15+s4+$0x0], $0xffff;
	v19 =	vadd.s32 s9, v4  }
0x61: {  	v13 =	vadd.s32 s21, v4;
	[tilespmem:s17+$0x10] =	vst v10  }
0x62: {  	v10 =	vadd.s32 s20, v3;
	[tilespmem:s17+$0xFFFFFE10] =	vst v21;
	v16 =	vld.idx.msk [tilespmem:v18+s4+$0x0], $0xffff  }
0x63: {  	v5 =	vnsel vm4, $0x2A, v5;
	v11 =	vadd.s32 s18, v3;
	[tilespmem:s17+$0x100] =	vst v20;
	v21 =	vld.idx.msk [tilespmem:v4+s4+$0x0], $0xffff  }
0x64: {  	v12 =	vld.idx.msk [tilespmem:v12+s4+$0x0], $0xffff;
	[tilespmem:s17+$0xFFFFFF90] =	vst v14;
	v14 =	vadd.s32 s13, v5  }
0x65: {  	v18 =	vadd.s32 s22, v4;
	[tilespmem:s17+$0x90] =	vst v15;
	v15 =	vld.idx.msk [tilespmem:v19+s4+$0x0], $0xffff  }
0x66: {  	[tilespmem:s17+$0xFFFFFE90] =	vst v17;
	v13 =	vld.idx.msk [tilespmem:v13+s4+$0x0], $0xffff  }
0x67: {  	v22 =	vadd.s32 s19, v4;
	v10 =	vld.idx.msk [tilespmem:v10+s4+$0x0], $0xffff;
	[tilespmem:s17+$0x20] =	vst v16  }
0x68: {  	v11 =	vld.idx.msk [tilespmem:v11+s4+$0x0], $0xffff;
	v19 =	vadd.s32 s9, v5;
	[tilespmem:s17+$0xFFFFFE20] =	vst v21  }
0x69: {  	v20 =	vadd.s32 s21, v5;
	[tilespmem:s17+$0xFFFFFF10] =	vst v12;
	v12 =	vld.idx.msk [tilespmem:v14+s4+$0x0], $0xffff  }
0x6a: {  	v14 =	vadd.s32 s20, v4;
	v16 =	vld.idx.msk [tilespmem:v18+s4+$0x0], $0xffff;
	[tilespmem:s17+$0xFFFFFFA0] =	vst v15  }
0x6b: {  	v6 =	vnsel vm3, $0x2A, v6;
	v23 =	vld.idx.msk [tilespmem:v5+s4+$0x0], $0xffff;
	v15 =	vadd.s32 s22, v5;
	[tilespmem:s17+$0xA0] =	vst v13  }
0x6c: {  	v13 =	vadd.s32 s13, v6;
	[tilespmem:s17+$0x110] =	vst v10;
	v10 =	vld.idx.msk [tilespmem:v22+s4+$0x0], $0xffff  }
0x6d: {  	v18 =	vld.idx.msk [tilespmem:v19+s4+$0x0], $0xffff;
	v19 =	vadd.s32 s18, v4  }
0x6e: {  	[tilespmem:s17+$0x190] =	vst v11;
	v17 =	vld.idx.msk [tilespmem:v20+s4+$0x0], $0xffff;
	v20 =	vadd.s32 s9, v6  }
0x6f: {  	v11 =	vadd.s32 s19, v5;
	v14 =	vld.idx.msk [tilespmem:v14+s4+$0x0], $0xffff;
	[tilespmem:s17+$0xFFFFFF20] =	vst v16  }
0x70: {  	v16 =	vadd.s32 s21, v6;
	[tilespmem:s17+$0x30] =	vst v12;
	v15 =	vld.idx.msk [tilespmem:v15+s4+$0x0], $0xffff  }
0x71: {  	v12 =	vadd.s32 s20, v5;
	v13 =	vld.idx.msk [tilespmem:v13+s4+$0x0], $0xffff;
	[tilespmem:s17+$0xFFFFFEA0] =	vst v10  }
0x72: {  	v7 =	vnsel vm2, $0x2A, v7;
	v21 =	vadd.s32 s22, v6;
	[tilespmem:s17+$0xFFFFFFB0] =	vst v18;
	v18 =	vld.idx.msk [tilespmem:v19+s4+$0x0], $0xffff  }
0x73: {  	[tilespmem:s17+$0xB0] =	vst v17;
	v19 =	vld.idx.msk [tilespmem:v20+s4+$0x0], $0xffff;
	v20 =	vadd.s32 s13, v7  }
0x74: {  	v10 =	vadd.s32 s9, v7;
	v11 =	vld.idx.msk [tilespmem:v11+s4+$0x0], $0xffff;
	[tilespmem:s17+$0x120] =	vst v14  }
0x75: {  	v16 =	vld.idx.msk [tilespmem:v16+s4+$0x0], $0xffff;
	v14 =	vadd.s32 s18, v5;
	[tilespmem:s17+$0xFFFFFF30] =	vst v15  }
0x76: {  	v12 =	vld.idx.msk [tilespmem:v12+s4+$0x0], $0xffff;
	v15 =	vadd.s32 s21, v7;
	[tilespmem:s17+$0x40] =	vst v13  }
0x77: {  	v13 =	vadd.s32 s20, v6;
	v17 =	vld.idx.msk [tilespmem:v21+s4+$0x0], $0xffff;
	[tilespmem:s17+$0x1A0] =	vst v18  }
0x78: {  	v21 =	vadd.s32 s19, v6;
	v20 =	vld.idx.msk [tilespmem:v20+s4+$0x0], $0xffff;
	[tilespmem:s17+$0xFFFFFFC0] =	vst v19  }
0x79: {  	v8 =	vnsel vm1, $0x2A, v8;
	v18 =	vadd.s32 s22, v7;
	[tilespmem:s17+$0xFFFFFEB0] =	vst v11;
	v10 =	vld.idx.msk [tilespmem:v10+s4+$0x0], $0xffff  }
0x7a: {  	v19 =	vadd.s32 s13, v8;
	v14 =	vld.idx.msk [tilespmem:v14+s4+$0x0], $0xffff;
	[tilespmem:s17+$0xC0] =	vst v16  }
0x7b: {  	v11 =	vadd.s32 s9, v8;
	v15 =	vld.idx.msk [tilespmem:v15+s4+$0x0], $0xffff;
	[tilespmem:s17+$0x130] =	vst v12  }
0x7c: {  	v12 =	vadd.s32 s18, v6;
	v13 =	vld.idx.msk [tilespmem:v13+s4+$0x0], $0xffff  }
0x7d: {  	v16 =	vld.idx.msk [tilespmem:v21+s4+$0x0], $0xffff;
	[tilespmem:s17+$0xFFFFFF40] =	vst v17;
	v17 =	vadd.s32 s21, v8  }
0x7e: {  	v18 =	vld.idx.msk [tilespmem:v18+s4+$0x0], $0xffff;
	[tilespmem:s17+$0x50] =	vst v20;
	v20 =	vadd.s32 s20, v7  }
0x7f: {  	v21 =	vadd.s32 s19, v7;
	v19 =	vld.idx.msk [tilespmem:v19+s4+$0x0], $0xffff;
	[tilespmem:s17+$0xFFFFFFD0] =	vst v10  }
0x80: {  	v9 =	vnsel vm15, $0x2A, v9;
	v22 =	vadd.s32 s22, v8;
	[tilespmem:s17+$0x1B0] =	vst v14;
	v25 =	vld.idx.msk [tilespmem:v11+s4+$0x0], $0xffff  }
0x81: {  	v27 =	vadd.s32 s13, v9;
	v24 =	vld.idx.msk [tilespmem:v12+s4+$0x0], $0xffff;
	[tilespmem:s17+$0xD0] =	vst v15  }
0x82: {  	v33 =	vadd.s32 s18, v7;
	v29 =	vadd.s32 s18, v8;
	v39 =	vld.idx.msk [tilespmem:v17+s4+$0x0], $0xffff;
	[tilespmem:s17+$0x140] =	vst v13  }
0x83: {  	v35 =	vadd.s32 s21, v9;
	[tilespmem:s17+$0xFFFFFEC0] =	vst v16;
	v16 =	vadd.s32 s9, v9;
	v26 =	vld.idx.msk [tilespmem:v20+s4+$0x0], $0xffff  }
0x84: {  	v31 =	vadd.s32 s22, v9;
	v10 =	vadd.s32 $0x180, v2;
	v11 =	vadd.s32 $0x180, v3;
	v28 =	vld.idx.msk [tilespmem:v21+s4+$0x0], $0xffff;
	[tilespmem:s17+$0xFFFFFF50] =	vst v18  }
0x85: {  	v14 =	vadd.s32 $0x180, v5;
	v37 =	vadd.s32 s5, v10;
	v12 =	vadd.s32 $0x180, v4;
	v32 =	vld.idx.msk [tilespmem:v22+s4+$0x0], $0xffff;
	[tilespmem:s17+$0x60] =	vst v19;
	v22 =	vmovc v6  }
0x86: {  	v15 =	vadd.s32 $0x180, v6;
	v17 =	vadd.s32 $0x180, v7;
	v13 =	vadd.s32 s19, v8;
	v30 =	vld.idx.msk [tilespmem:v27+s4+$0x0], $0xffff;
	[tilespmem:s17+$0x1C0] =	vst v24  }
0x87: {  	s22 =	simm.s32 $0x11600;
	v38 =	vadd.s32 s5, v15;
	v18 =	vadd.s32 $0x180, v8;
	v21 =	vmovc v7;
	v19 =	vadd.s32 $0x180, v9;
	[tilespmem:s17+$0xFFFFFFE0] =	vst v25;
	v34 =	vld.idx.msk [tilespmem:v33+s4+$0x0], $0xffff  }
0x88: {  	s13 =	simm.s32 $0x0;
	s21 =	simm.s32 $0x180;
	s9 =	simm.s32 $0x0;
	v20 =	vmovc v8;
	v27 =	vadd.s32 s5, v18;
	v24 =	vadd.s32 s5, v19;
	v33 =	vadd.s32 s5, v17;
	v36 =	vld.idx.msk [tilespmem:v16+s4+$0x0], $0xffff;
	[tilespmem:s17+$0xE0] =	vst v39;
	v16 =	vmovc v9  }
.LBB2_4:
0x89: {  	s11 =	sadd.s32 $0x30, s21;
	s16 =	sadd.s32 $0xC0, s21;
	s3 =	sadd.s32 $0x120, s21;
	v39 =	vadd.s32 s13, v11;
	v40 =	vadd.s32 s13, v12;
	v25 =	vadd.s32 s13, v14;
	[tilespmem:s17+$0xFFFFFE30] =	vst v23;
	v23 =	vld.idx.msk [tilespmem:v35+s4+$0x0], $0xffff  }
0x8a: {  	s14 =	sadd.s32 $0x60, s21;
	s15 =	sadd.s32 $0xF0, s21;
	s12 =	sadd.s32 $0x150, s21;
	v35 =	vadd.s32 s11, v2;
	v41 =	vadd.s32 s16, v2;
	v42 =	vadd.s32 s3, v2;
	v43 =	vld.idx.msk [tilespmem:v22+s4+$0x0], $0xffff;
	v22 =	vmovc v38  }
0x8b: {  	s2 =	sadd.s32 $0x90, s21;
	s9 =	sadd.s32 $0x8, s9;
	s13 =	smov.u32 s21;
	v38 =	vadd.s32 s14, v2;
	v44 =	vadd.s32 s15, v2;
	v45 =	vadd.s32 s12, v2;
	[tilespmem:s17+$0xFFFFFF60] =	vst v32  }
0x8c: {  	v46 =	vadd.s32 s2, v2;
	p0 =	slt.u32 s9, $0x38;
	v32 =	vadd.s32 s11, v8;
	v31 =	vld.idx.msk [tilespmem:v31+s4+$0x0], $0xffff;
	[tilespmem:s17+$0x70] =	vst v30  }
0x8d: {  	v30 =	vld.idx.msk [tilespmem:v37+s4+$0x0], $0xffff;
	[tilespmem:s17+$0xFFFFFED0] =	vst v28  }
0x8e: {  	v28 =	vld.idx.msk [tilespmem:v13+s4+$0x0], $0xffff;
	[tilespmem:s17+$0xFFFFFFF0] =	vst v36;
	v13 =	vmov v32  }
0x8f: {  	v32 =	vld.idx.msk [tilespmem:v35+s4+$0x0], $0xffff;
	[tilespmem:s17+$0x1D0] =	vst v34  }
0x90: {  	v34 =	vadd.s32 s19, v9;
	s19 =	smov.u32 s11;
	[tilespmem:s17+$0xFFFFFE40] =	vst v43;
	v29 =	vld.idx.msk [tilespmem:v29+s4+$0x0], $0xffff  }
0x91: {  	v35 =	vadd.s32 s19, v3;
	v36 =	vld.idx.msk [tilespmem:v45+s4+$0x0], $0xffff;
	[tilespmem:s17+$0xF0] =	vst v23  }
0x92: {  	v37 =	vadd.s32 s12, v3;
	v23 =	vld.idx.msk [tilespmem:v41+s4+$0x0], $0xffff;
	[tilespmem:s17+$0xFFFFFF70] =	vst v31  }
0x93: {  	[tilespmem:s22+$0xFFFFFE00] =	vst v30;
	v30 =	vadd.s32 s16, v3;
	v31 =	vld.idx.msk [tilespmem:v21+s4+$0x0], $0xffff;
	v21 =	vmov v33  }
0x94: {  	v41 =	vadd.s32 s15, v3;
	v33 =	vld.idx.msk [tilespmem:v46+s4+$0x0], $0xffff;
	[tilespmem:s17+$0xFFFFFEE0] =	vst v28  }
0x95: {  	[tilespmem:s22+$0xFFFFFE80] =	vst v32;
	v28 =	vld.idx.msk [tilespmem:v34+s4+$0x0], $0xffff  }
0x96: {  	v32 =	vadd.s32 s14, v3;
	v34 =	vld.idx.msk [tilespmem:v44+s4+$0x0], $0xffff;
	[tilespmem:s17+$0x1E0] =	vst v29  }
0x97: {  	v29 =	vld.idx.msk [tilespmem:v38+s4+$0x0], $0xffff;
	v38 =	vadd.s32 s2, v3;
	[tilespmem:s22+$0x180] =	vst v36;
	v36 =	vadd.s32 s18, v9;
	s18 =	smov.u32 s12  }
0x98: {  	v43 =	vadd.s32 s19, v4;
	v39 =	vld.idx.msk [tilespmem:v39+s4+$0x0], $0xffff;
	[tilespmem:s22+$0x0] =	vst v23  }
0x99: {  	v23 =	vld.idx.msk [tilespmem:v35+s4+$0x0], $0xffff;
	v35 =	vadd.s32 s18, v4;
	[tilespmem:s17+$0xFFFFFE50] =	vst v31  }
0x9a: {  	v31 =	vadd.s32 s16, v4;
	v30 =	vld.idx.msk [tilespmem:v30+s4+$0x0], $0xffff;
	[tilespmem:s17+$0x150] =	vst v26  }
0x9b: {  	v26 =	vadd.s32 s15, v4;
	v42 =	vld.idx.msk [tilespmem:v42+s4+$0x0], $0xffff;
	[tilespmem:s17+$0xFFFFFEF0] =	vst v28  }
0x9c: {  	v28 =	vadd.s32 s3, v3;
	[tilespmem:s22+$0x80] =	vst v34;
	v34 =	vadd.s32 s20, v8;
	v36 =	vld.idx.msk [tilespmem:v36+s4+$0x0], $0xffff  }
0x9d: {  	v44 =	vadd.s32 s14, v4;
	[tilespmem:s22+$0xFFFFFF80] =	vst v33;
	v33 =	vld.idx.msk [tilespmem:v41+s4+$0x0], $0xffff  }
0x9e: {  	[tilespmem:s22+$0xFFFFFE10] =	vst v39;
	v38 =	vld.idx.msk [tilespmem:v38+s4+$0x0], $0xffff;
	v39 =	vadd.s32 s2, v4  }
0x9f: {  	[tilespmem:s22+$0xFFFFFE90] =	vst v23;
	v23 =	vld.idx.msk [tilespmem:v37+s4+$0x0], $0xffff  }
0xa0: {  	v37 =	vld.idx.msk [tilespmem:v40+s4+$0x0], $0xffff;
	[tilespmem:s22+$0x10] =	vst v30  }
0xa1: {  	[tilespmem:s22+$0x100] =	vst v42;
	v30 =	vld.idx.msk [tilespmem:v34+s4+$0x0], $0xffff  }
0xa2: {  	[tilespmem:s22+$0xFFFFFF00] =	vst v29;
	v29 =	vld.idx.msk [tilespmem:v31+s4+$0x0], $0xffff  }
0xa3: {  	v31 =	vld.idx.msk [tilespmem:v32+s4+$0x0], $0xffff;
	[tilespmem:s22+$0x90] =	vst v33;
	v32 =	vadd.s32 s20, v9;
	s20 =	smov.u32 s3  }
0xa4: {  	v33 =	vadd.s32 s16, v5;
	[tilespmem:s22+$0xFFFFFF90] =	vst v38;
	v34 =	vld.idx.msk [tilespmem:v20+s4+$0x0], $0xffff;
	v20 =	vmov v27  }
0xa5: {  	v27 =	vld.idx.msk [tilespmem:v39+s4+$0x0], $0xffff;
	[tilespmem:s22+$0x190] =	vst v23  }
0xa6: {  	[tilespmem:s22+$0xFFFFFE20] =	vst v37;
	v23 =	vld.idx.msk [tilespmem:v26+s4+$0x0], $0xffff  }
0xa7: {  	v26 =	vadd.s32 s2, v5;
	v28 =	vld.idx.msk [tilespmem:v28+s4+$0x0], $0xffff;
	[tilespmem:s17+$0x160] =	vst v30  }
0xa8: {  	[tilespmem:s22+$0x20] =	vst v29;
	v29 =	vadd.s32 s15, v5;
	v30 =	vld.idx.msk [tilespmem:v32+s4+$0x0], $0xffff  }
0xa9: {  	[tilespmem:s22+$0xFFFFFF10] =	vst v31;
	v31 =	vld.idx.msk [tilespmem:v33+s4+$0x0], $0xffff  }
0xaa: {  	v33 =	vadd.s32 s20, v4;
	v32 =	vld.idx.msk [tilespmem:v44+s4+$0x0], $0xffff;
	[tilespmem:s17+$0xFFFFFE60] =	vst v34  }
0xab: {  	[tilespmem:s22+$0xFFFFFFA0] =	vst v27;
	v27 =	vld.idx.msk [tilespmem:v16+s4+$0x0], $0xffff;
	v16 =	vmov v24  }
0xac: {  	v24 =	vadd.s32 s14, v5;
	v26 =	vld.idx.msk [tilespmem:v26+s4+$0x0], $0xffff;
	[tilespmem:s22+$0xA0] =	vst v23  }
0xad: {  	v34 =	vadd.s32 s16, v6;
	v29 =	vld.idx.msk [tilespmem:v29+s4+$0x0], $0xffff;
	[tilespmem:s22+$0x110] =	vst v28  }
0xae: {  	v28 =	vld.idx.msk [tilespmem:v43+s4+$0x0], $0xffff;
	[tilespmem:s17+$0x170] =	vst v30  }
0xaf: {  	v30 =	vadd.s32 s2, v6;
	v33 =	vld.idx.msk [tilespmem:v33+s4+$0x0], $0xffff;
	[tilespmem:s17+$0x1F0] =	vst v36  }
0xb0: {  	v23 =	vld.idx.msk [tilespmem:v25+s4+$0x0], $0xffff;
	[tilespmem:s22+$0xFFFFFF20] =	vst v32;
	v25 =	vadd.s32 s15, v6  }
0xb1: {  	v24 =	vld.idx.msk [tilespmem:v24+s4+$0x0], $0xffff;
	[tilespmem:s22+$0x30] =	vst v31;
	v31 =	vadd.s32 s20, v5  }
0xb2: {  	v32 =	vadd.s32 s19, v5;
	v34 =	vld.idx.msk [tilespmem:v34+s4+$0x0], $0xffff;
	[tilespmem:s17+$0xFFFFFE70] =	vst v27;
	s17 =	smov.u32 s22  }
0xb3: {  	v27 =	vadd.s32 s14, v6;
	[tilespmem:s22+$0xFFFFFFB0] =	vst v26;
	v26 =	vld.idx.msk [tilespmem:v35+s4+$0x0], $0xffff  }
0xb4: {  	v35 =	vadd.s32 s16, v7;
	v30 =	vld.idx.msk [tilespmem:v30+s4+$0x0], $0xffff;
	[tilespmem:s22+$0xB0] =	vst v29  }
0xb5: {  	v29 =	vadd.s32 s18, v5;
	v25 =	vld.idx.msk [tilespmem:v25+s4+$0x0], $0xffff;
	[tilespmem:s22+$0x120] =	vst v33  }
0xb6: {  	[tilespmem:s22+$0xFFFFFEA0] =	vst v28;
	v28 =	vadd.s32 s2, v7;
	v31 =	vld.idx.msk [tilespmem:v31+s4+$0x0], $0xffff  }
0xb7: {  	v32 =	vld.idx.msk [tilespmem:v32+s4+$0x0], $0xffff;
	[tilespmem:s22+$0xFFFFFF30] =	vst v24;
	v24 =	vadd.s32 s15, v7  }
0xb8: {  	v33 =	vadd.s32 s20, v6;
	v27 =	vld.idx.msk [tilespmem:v27+s4+$0x0], $0xffff;
	[tilespmem:s22+$0x40] =	vst v34  }
0xb9: {  	v34 =	vadd.s32 s19, v6;
	v35 =	vld.idx.msk [tilespmem:v35+s4+$0x0], $0xffff;
	[tilespmem:s22+$0x1A0] =	vst v26  }
0xba: {  	v26 =	vadd.s32 s14, v7;
	[tilespmem:s22+$0xFFFFFFC0] =	vst v30;
	v29 =	vld.idx.msk [tilespmem:v29+s4+$0x0], $0xffff  }
0xbb: {  	v30 =	vadd.s32 s16, v8;
	v28 =	vld.idx.msk [tilespmem:v28+s4+$0x0], $0xffff;
	[tilespmem:s22+$0xC0] =	vst v25  }
0xbc: {  	v25 =	vadd.s32 s18, v6;
	v24 =	vld.idx.msk [tilespmem:v24+s4+$0x0], $0xffff;
	[tilespmem:s22+$0x130] =	vst v31  }
0xbd: {  	v31 =	vadd.s32 s2, v8;
	[tilespmem:s22+$0xFFFFFEB0] =	vst v32;
	v32 =	vld.idx.msk [tilespmem:v33+s4+$0x0], $0xffff  }
0xbe: {  	v33 =	vld.idx.msk [tilespmem:v34+s4+$0x0], $0xffff;
	[tilespmem:s22+$0xFFFFFF40] =	vst v27;
	v27 =	vadd.s32 s15, v8  }
0xbf: {  	v34 =	vld.idx.msk [tilespmem:v26+s4+$0x0], $0xffff;
	[tilespmem:s22+$0x50] =	vst v35;
	v26 =	vadd.s32 s20, v7  }
0xc0: {  	v35 =	vadd.s32 s19, v7;
	v30 =	vld.idx.msk [tilespmem:v30+s4+$0x0], $0xffff;
	[tilespmem:s22+$0x1B0] =	vst v29  }
0xc1: {  	v29 =	vadd.s32 s14, v8;
	[tilespmem:s22+$0xFFFFFFD0] =	vst v28;
	v25 =	vld.idx.msk [tilespmem:v25+s4+$0x0], $0xffff  }
0xc2: {  	v36 =	vld.idx.msk [tilespmem:v31+s4+$0x0], $0xffff;
	v31 =	vadd.s32 s16, v9;
	[tilespmem:s22+$0xD0] =	vst v24  }
0xc3: {  	v37 =	vadd.s32 s18, v7;
	v39 =	vld.idx.msk [tilespmem:v27+s4+$0x0], $0xffff;
	[tilespmem:s22+$0x140] =	vst v32  }
0xc4: {  	v40 =	vadd.s32 s2, v9;
	[tilespmem:s22+$0xFFFFFEC0] =	vst v33;
	v26 =	vld.idx.msk [tilespmem:v26+s4+$0x0], $0xffff  }
.Ltmp0:
0xc5: {  	v28 =	vld.idx.msk [tilespmem:v35+s4+$0x0], $0xffff;
	[tilespmem:s22+$0xFFFFFF50] =	vst v34;
	v35 =	vadd.s32 s15, v9;
	(pc) =	sbr.rel @p0 .LBB2_4-.Ltmp0, $4  }
0xc6: {  	v32 =	vld.idx.msk [tilespmem:v29+s4+$0x0], $0xffff;
	[tilespmem:s22+$0x60] =	vst v30  }
0xc7: {  	v29 =	vadd.s32 s18, v8;
	v30 =	vld.idx.msk [tilespmem:v31+s4+$0x0], $0xffff;
	[tilespmem:s22+$0x1C0] =	vst v25  }
0xc8: {  	v24 =	vadd.s32 s21, v19;
	v27 =	vadd.s32 s21, v18;
	v31 =	vadd.s32 s14, v9;
	[tilespmem:s22+$0xFFFFFFE0] =	vst v36;
	v34 =	vld.idx.msk [tilespmem:v37+s4+$0x0], $0xffff  }
0xc9: {  	v38 =	vadd.s32 s13, v15;
	s21 =	sadd.s32 $0x180, s21;
	v33 =	vadd.s32 s13, v17;
	v37 =	vadd.s32 s13, v10;
	s22 =	sadd.s32 $0x400, s22;
	v36 =	vld.idx.msk [tilespmem:v40+s4+$0x0], $0xffff;
	[tilespmem:s17+$0xE0] =	vst v39  }
0xca: {  	_ =	sdelay $0x2  }
0xcb: {  	[tilespmem:s17+$0xFFFFFE30] =	vst v23  }
0xcc: {  	v2 =	vld.idx.msk [tilespmem:v22+s4+$0x0], $0xffff;
	_ =	sdelay $0x4  }
0xcd: {  	[tilespmem:s17+$0xFFFFFE40] =	vst v2;
	v2 =	vadd.s32 s20, v8  }
0xce: {  	v3 =	vld.idx.msk [tilespmem:v21+s4+$0x0], $0xffff  }
0xcf: {  	[tilespmem:s17+$0xFFFFFED0] =	vst v28  }
0xd0: {  	[tilespmem:s17+$0x150] =	vst v26;
	v4 =	vld.idx.msk [tilespmem:v13+s4+$0x0], $0xffff  }
0xd1: {  	v5 =	vadd.s32 s19, v9;
	[tilespmem:s17+$0xFFFFFF60] =	vst v32  }
0xd2: {  	[tilespmem:s17+$0x1D0] =	vst v34;
	v2 =	vld.idx.msk [tilespmem:v2+s4+$0x0], $0xffff  }
0xd3: {  	v6 =	vld.idx.msk [tilespmem:v29+s4+$0x0], $0xffff;
	[tilespmem:s17+$0xFFFFFE50] =	vst v3;
	v3 =	vadd.s32 s20, v9  }
0xd4: {  	v7 =	vadd.s32 s18, v9;
	[tilespmem:s17+$0x70] =	vst v30;
	v8 =	vld.idx.msk [tilespmem:v20+s4+$0x0], $0xffff  }
0xd5: {  	v10 =	vld.idx.msk [tilespmem:v31+s4+$0x0], $0xffff;
	[tilespmem:s17+$0xFFFFFEE0] =	vst v4  }
0xd6: {  	[tilespmem:s17+$0xFFFFFFF0] =	vst v36;
	v4 =	vld.idx.msk [tilespmem:v5+s4+$0x0], $0xffff  }
0xd7: {  	v9 =	vld.idx.msk [tilespmem:v35+s4+$0x0], $0xffff;
	[tilespmem:s17+$0x160] =	vst v2  }
0xd8: {  	[tilespmem:s17+$0x1E0] =	vst v6;
	v2 =	vld.idx.msk [tilespmem:v3+s4+$0x0], $0xffff  }
0xd9: {  	v3 =	vld.idx.msk [tilespmem:v7+s4+$0x0], $0xffff;
	[tilespmem:s17+$0xFFFFFE60] =	vst v8  }
0xda: {  	[tilespmem:s17+$0xFFFFFF70] =	vst v10;
	v5 =	vld.idx.msk [tilespmem:v16+s4+$0x0], $0xffff  }
0xdb: {  	[tilespmem:s17+$0xFFFFFEF0] =	vst v4  }
0xdc: {  	s2 =	sshll.u32 s6, $0x13;
	[tilespmem:s17+$0xF0] =	vst v9  }
0xdd: {  	s0 =	rddreg [dreg:$0x1];
	s19 =	simm.s32 $0x400;
	s2 =	sadd.s32 s1, s2;
	[tilespmem:s17+$0x170] =	vst v2  }
0xde: {  	s3 =	simm.s32 $0x8000;
	s9 =	simm.s32 $0x11000;
	s2 =	sshrl.u32 s2, $0x3;
	[tilespmem:s17+$0x1F0] =	vst v3  }
0xdf: {  	s21 =	sshll.u32 s6, $0xD;
	s2 =	sadd.s32 s0, s2;
	s20 =	sshll.u32 s6, $0x8;
	[tilespmem:s17+$0xFFFFFE70] =	vst v5  }
0xe0: {  	[hbm4b:s2+s19] =	stream.strided.scatter [tilespmem:s9], [sflag:$0x1], $0x2000, s3, s19, $0x38;
	[tilespmem:$0x15100] =	vst v63  }
0xe1: {  	s2 =	sand.u32 $0x300, s20;
	s3 =	sand.u32 $0x18000, s21;
	s22 =	rddreg [dreg:$0x9]  }
0xe2: {  	s8 =	sor.u32 $0x1, s8;
	s17 =	sadd.s32 s22, s3;
	s2 =	sor.u32 s2, s7  }
0xe3: {  	s12 =	sadd.s32 s23, s8;
	s2 =	sor.u32 s17, s2  }
0xe4: {  	p0 =	seq.s32 s12, $0x1;
	s9 =	rddreg [dreg:$0x2];
	s2 =	sshrl.u32 s2, $0x3  }
0xe5: {  	s11 =	simm.s32 $0x15000;
	s3 =	simm.s32 @!p0 $0x2;
	s2 =	sadd.s32 s9, s2  }
0xe6: {  	[hbm4b:s2+s4] =	stream.linear.scatter [tilespmem:s11], [sflag:$0x3], $0x80, $0x38;
	[tilespmem:$0x15100] =	vst v63  }
0xe7: {  	_ =	swait.ge @!p0 [sflag:s3], $0x2000  }
0xe8: {  	v2 =	vadd.s32 s12, v0;
	[sflag:s3] =	ssyncset.done @!p0 $0x0  }
0xe9: {  	s2 =	simm.s32 @!p0 $0x4;
	[sflag:s3] =	ssyncadd.s32 @!p0 $0xFFFFE000  }
0xea: {  	_ =	swait.ge @!p0 [sflag:s2], $0x80  }
0xeb: {  	[sflag:s2] =	ssyncset.done @!p0 $0x0  }
0xec: {  	[sflag:s2] =	ssyncadd.s32 @!p0 $0xFFFFFF80  }
0xed: {  	v2 =	vld.idx.msk [tilespmem:v2+s10+$0x0], $0xffff;
	_ =	sdelay $0x1  }
0xee: {  	s13 =	sadd.s32 s24, s8  }
0xef: {  	v3 =	vadd.s32 s13, v0;
	_ =	sdelay $0x1  }
0xf0: {  	vm0 =	vne.s32 v2, $0xFFFFFFFF  }
0xf1: {  	v4 =	vsel vm0, $0x1, v1  }
0xf2: {  	[tilespmem:$0x15080] =	vst v4  }
0xf3: {  	v3 =	vld.idx.msk [tilespmem:v3+s10+$0x0], $0xffff;
	_ =	sdelay $0x1  }
0xf4: {  	s14 =	sadd.s32 s25, s8  }
0xf5: {  	v4 =	vadd.s32 s14, v0;
	_ =	sdelay $0x1  }
0xf6: {  	vm6 =	vne.s32 v3, $0xFFFFFFFF  }
0xf7: {  	v5 =	vsel vm6, $0x1, v1  }
0xf8: {  	[tilespmem:$0x15090] =	vst v5  }
0xf9: {  	v4 =	vld.idx.msk [tilespmem:v4+s10+$0x0], $0xffff;
	_ =	sdelay $0x1  }
0xfa: {  	s15 =	sadd.s32 s26, s8  }
0xfb: {  	v5 =	vadd.s32 s15, v0;
	_ =	sdelay $0x1  }
0xfc: {  	vm5 =	vne.s32 v4, $0xFFFFFFFF  }
0xfd: {  	v6 =	vsel vm5, $0x1, v1  }
0xfe: {  	[tilespmem:$0x150A0] =	vst v6  }
0xff: {  	v5 =	vld.idx.msk [tilespmem:v5+s10+$0x0], $0xffff;
	_ =	sdelay $0x1  }
0x100: {  	s16 =	sadd.s32 s28, s8  }
0x101: {  	v6 =	vadd.s32 s16, v0;
	_ =	sdelay $0x1  }
0x102: {  	vm4 =	vne.s32 v5, $0xFFFFFFFF  }
0x103: {  	v7 =	vsel vm4, $0x1, v1  }
0x104: {  	[tilespmem:$0x150B0] =	vst v7  }
0x105: {  	v6 =	vld.idx.msk [tilespmem:v6+s10+$0x0], $0xffff;
	_ =	sdelay $0x1  }
0x106: {  	s18 =	sadd.s32 s29, s8  }
0x107: {  	v7 =	vadd.s32 s18, v0;
	_ =	sdelay $0x1  }
0x108: {  	vm3 =	vne.s32 v6, $0xFFFFFFFF  }
0x109: {  	v8 =	vsel vm3, $0x1, v1  }
0x10a: {  	[tilespmem:$0x150C0] =	vst v8  }
0x10b: {  	v7 =	vld.idx.msk [tilespmem:v7+s10+$0x0], $0xffff;
	_ =	sdelay $0x1  }
0x10c: {  	s19 =	sadd.s32 s30, s8  }
0x10d: {  	v8 =	vadd.s32 s19, v0;
	_ =	sdelay $0x1  }
0x10e: {  	vm2 =	vne.s32 v7, $0xFFFFFFFF  }
0x10f: {  	v9 =	vsel vm2, $0x1, v1  }
0x110: {  	[tilespmem:$0x150D0] =	vst v9  }
0x111: {  	v8 =	vld.idx.msk [tilespmem:v8+s10+$0x0], $0xffff;
	_ =	sdelay $0x1  }
0x112: {  	s20 =	sadd.s32 s31, s8  }
0x113: {  	v9 =	vadd.s32 s20, v0;
	_ =	sdelay $0x1  }
0x114: {  	vm1 =	vne.s32 v8, $0xFFFFFFFF  }
0x115: {  	v10 =	vsel vm1, $0x1, v1  }
0x116: {  	[tilespmem:$0x150E0] =	vst v10  }
0x117: {  	v9 =	vld.idx.msk [tilespmem:v9+s10+$0x0], $0xffff;
	_ =	sdelay $0x2  }
0x118: {  	v2 =	vnsel vm0, $0x2A, v2;
	s20 =	simm.s32 $0x30  }
0x119: {  	s14 =	simm.s32 $0xC0;
	v10 =	vadd.s32 s20, v2  }
0x11a: {  	v11 =	vadd.s32 s14, v2;
	s19 =	simm.s32 $0x150;
	vm15 =	vne.s32 v9, $0xFFFFFFFF  }
0x11b: {  	s21 =	simm.s32 $0xF0;
	v13 =	vadd.s32 s19, v2;
	v12 =	vsel vm15, $0x1, v1  }
0x11c: {  	s13 =	simm.s32 $0x90;
	v14 =	vadd.s32 s21, v2;
	[tilespmem:$0x150F0] =	vst v12  }
0x11d: {  	s22 =	simm.s32 $0x60;
	v12 =	vadd.s32 s13, v2;
	v15 =	vld.idx.msk [tilespmem:v2+s4+$0x0], $0xffff  }
0x11e: {  	v16 =	vadd.s32 s22, v2;
	v10 =	vld.idx.msk [tilespmem:v10+s4+$0x0], $0xffff  }
0x11f: {  	v3 =	vnsel vm6, $0x2A, v3;
	v11 =	vld.idx.msk [tilespmem:v11+s4+$0x0], $0xffff  }
0x120: {  	v17 =	vadd.s32 s14, v3;
	v13 =	vld.idx.msk [tilespmem:v13+s4+$0x0], $0xffff  }
0x121: {  	s9 =	simm.s32 $0x120;
	v18 =	vadd.s32 s20, v3;
	v14 =	vld.idx.msk [tilespmem:v14+s4+$0x0], $0xffff  }
0x122: {  	v20 =	vadd.s32 s9, v2;
	s18 =	simm.s32 $0x133F0;
	v12 =	vld.idx.msk [tilespmem:v12+s4+$0x0], $0xffff  }
0x123: {  	v19 =	vadd.s32 s13, v3;
	v16 =	vld.idx.msk [tilespmem:v16+s4+$0x0], $0xffff;
	[tilespmem:s18+$0xFFFFFC10] =	vst v15  }
0x124: {  	v15 =	vadd.s32 s21, v3;
	[tilespmem:s18+$0xFFFFFE10] =	vst v11;
	v21 =	vld.idx.msk [tilespmem:v3+s4+$0x0], $0xffff  }
0x125: {  	v4 =	vnsel vm5, $0x2A, v4;
	[tilespmem:s18+$0xFFFFFC90] =	vst v10;
	v10 =	vld.idx.msk [tilespmem:v17+s4+$0x0], $0xffff  }
0x126: {  	[tilespmem:s18+$0xFFFFFE90] =	vst v14;
	v17 =	vld.idx.msk [tilespmem:v18+s4+$0x0], $0xffff;
	v18 =	vadd.s32 s14, v4  }
0x127: {  	v20 =	vld.idx.msk [tilespmem:v20+s4+$0x0], $0xffff;
	[tilespmem:s18+$0xFFFFFD90] =	vst v12  }
0x128: {  	[tilespmem:s18+$0xFFFFFF90] =	vst v13;
	v12 =	vadd.s32 s22, v3;
	v14 =	vld.idx.msk [tilespmem:v19+s4+$0x0], $0xffff  }
0x129: {  	[tilespmem:s18+$0xFFFFFD10] =	vst v16;
	v15 =	vld.idx.msk [tilespmem:v15+s4+$0x0], $0xffff;
	v19 =	vadd.s32 s13, v4  }
0x12a: {  	v13 =	vadd.s32 s21, v4;
	[tilespmem:s18+$0xFFFFFE20] =	vst v10  }
0x12b: {  	v10 =	vadd.s32 s9, v3;
	[tilespmem:s18+$0xFFFFFC20] =	vst v21;
	v16 =	vld.idx.msk [tilespmem:v18+s4+$0x0], $0xffff  }
0x12c: {  	v5 =	vnsel vm4, $0x2A, v5;
	v11 =	vadd.s32 s19, v3;
	[tilespmem:s18+$0xFFFFFF10] =	vst v20;
	v21 =	vld.idx.msk [tilespmem:v4+s4+$0x0], $0xffff  }
0x12d: {  	v12 =	vld.idx.msk [tilespmem:v12+s4+$0x0], $0xffff;
	[tilespmem:s18+$0xFFFFFDA0] =	vst v14;
	v14 =	vadd.s32 s14, v5  }
0x12e: {  	v18 =	vadd.s32 s22, v4;
	[tilespmem:s18+$0xFFFFFEA0] =	vst v15;
	v15 =	vld.idx.msk [tilespmem:v19+s4+$0x0], $0xffff  }
0x12f: {  	[tilespmem:s18+$0xFFFFFCA0] =	vst v17;
	v13 =	vld.idx.msk [tilespmem:v13+s4+$0x0], $0xffff  }
0x130: {  	v22 =	vadd.s32 s20, v4;
	v10 =	vld.idx.msk [tilespmem:v10+s4+$0x0], $0xffff;
	[tilespmem:s18+$0xFFFFFE30] =	vst v16  }
0x131: {  	v11 =	vld.idx.msk [tilespmem:v11+s4+$0x0], $0xffff;
	v19 =	vadd.s32 s13, v5;
	[tilespmem:s18+$0xFFFFFC30] =	vst v21  }
0x132: {  	v20 =	vadd.s32 s21, v5;
	[tilespmem:s18+$0xFFFFFD20] =	vst v12;
	v12 =	vld.idx.msk [tilespmem:v14+s4+$0x0], $0xffff  }
0x133: {  	v14 =	vadd.s32 s9, v4;
	v16 =	vld.idx.msk [tilespmem:v18+s4+$0x0], $0xffff;
	[tilespmem:s18+$0xFFFFFDB0] =	vst v15  }
0x134: {  	v6 =	vnsel vm3, $0x2A, v6;
	v23 =	vld.idx.msk [tilespmem:v5+s4+$0x0], $0xffff;
	v15 =	vadd.s32 s22, v5;
	[tilespmem:s18+$0xFFFFFEB0] =	vst v13  }
0x135: {  	v13 =	vadd.s32 s14, v6;
	[tilespmem:s18+$0xFFFFFF20] =	vst v10;
	v10 =	vld.idx.msk [tilespmem:v22+s4+$0x0], $0xffff  }
0x136: {  	v18 =	vld.idx.msk [tilespmem:v19+s4+$0x0], $0xffff;
	v19 =	vadd.s32 s19, v4  }
0x137: {  	[tilespmem:s18+$0xFFFFFFA0] =	vst v11;
	v17 =	vld.idx.msk [tilespmem:v20+s4+$0x0], $0xffff;
	v20 =	vadd.s32 s13, v6  }
0x138: {  	v11 =	vadd.s32 s20, v5;
	v14 =	vld.idx.msk [tilespmem:v14+s4+$0x0], $0xffff;
	[tilespmem:s18+$0xFFFFFD30] =	vst v16  }
0x139: {  	v16 =	vadd.s32 s21, v6;
	[tilespmem:s18+$0xFFFFFE40] =	vst v12;
	v15 =	vld.idx.msk [tilespmem:v15+s4+$0x0], $0xffff  }
0x13a: {  	v12 =	vadd.s32 s9, v5;
	v13 =	vld.idx.msk [tilespmem:v13+s4+$0x0], $0xffff;
	[tilespmem:s18+$0xFFFFFCB0] =	vst v10  }
0x13b: {  	v7 =	vnsel vm2, $0x2A, v7;
	v21 =	vadd.s32 s22, v6;
	[tilespmem:s18+$0xFFFFFDC0] =	vst v18;
	v18 =	vld.idx.msk [tilespmem:v19+s4+$0x0], $0xffff  }
0x13c: {  	[tilespmem:s18+$0xFFFFFEC0] =	vst v17;
	v19 =	vld.idx.msk [tilespmem:v20+s4+$0x0], $0xffff;
	v20 =	vadd.s32 s14, v7  }
0x13d: {  	v10 =	vadd.s32 s13, v7;
	v11 =	vld.idx.msk [tilespmem:v11+s4+$0x0], $0xffff;
	[tilespmem:s18+$0xFFFFFF30] =	vst v14  }
0x13e: {  	v16 =	vld.idx.msk [tilespmem:v16+s4+$0x0], $0xffff;
	v14 =	vadd.s32 s19, v5;
	[tilespmem:s18+$0xFFFFFD40] =	vst v15  }
0x13f: {  	v12 =	vld.idx.msk [tilespmem:v12+s4+$0x0], $0xffff;
	v15 =	vadd.s32 s21, v7;
	[tilespmem:s18+$0xFFFFFE50] =	vst v13  }
0x140: {  	v13 =	vadd.s32 s9, v6;
	v17 =	vld.idx.msk [tilespmem:v21+s4+$0x0], $0xffff;
	[tilespmem:s18+$0xFFFFFFB0] =	vst v18  }
0x141: {  	v21 =	vadd.s32 s20, v6;
	v20 =	vld.idx.msk [tilespmem:v20+s4+$0x0], $0xffff;
	[tilespmem:s18+$0xFFFFFDD0] =	vst v19  }
0x142: {  	v8 =	vnsel vm1, $0x2A, v8;
	v18 =	vadd.s32 s22, v7;
	[tilespmem:s18+$0xFFFFFCC0] =	vst v11;
	v10 =	vld.idx.msk [tilespmem:v10+s4+$0x0], $0xffff  }
0x143: {  	v19 =	vadd.s32 s14, v8;
	v14 =	vld.idx.msk [tilespmem:v14+s4+$0x0], $0xffff;
	[tilespmem:s18+$0xFFFFFED0] =	vst v16  }
0x144: {  	v11 =	vadd.s32 s13, v8;
	v15 =	vld.idx.msk [tilespmem:v15+s4+$0x0], $0xffff;
	[tilespmem:s18+$0xFFFFFF40] =	vst v12  }
0x145: {  	v12 =	vadd.s32 s19, v6;
	v13 =	vld.idx.msk [tilespmem:v13+s4+$0x0], $0xffff  }
0x146: {  	v16 =	vld.idx.msk [tilespmem:v21+s4+$0x0], $0xffff;
	[tilespmem:s18+$0xFFFFFD50] =	vst v17;
	v17 =	vadd.s32 s21, v8  }
0x147: {  	v18 =	vld.idx.msk [tilespmem:v18+s4+$0x0], $0xffff;
	[tilespmem:s18+$0xFFFFFE60] =	vst v20;
	v20 =	vadd.s32 s9, v7  }
0x148: {  	v21 =	vadd.s32 s20, v7;
	v19 =	vld.idx.msk [tilespmem:v19+s4+$0x0], $0xffff;
	[tilespmem:s18+$0xFFFFFDE0] =	vst v10  }
0x149: {  	v9 =	vnsel vm15, $0x2A, v9;
	v22 =	vadd.s32 s22, v8;
	[tilespmem:s18+$0xFFFFFFC0] =	vst v14;
	v25 =	vld.idx.msk [tilespmem:v11+s4+$0x0], $0xffff  }
0x14a: {  	v27 =	vadd.s32 s14, v9;
	v24 =	vld.idx.msk [tilespmem:v12+s4+$0x0], $0xffff;
	[tilespmem:s18+$0xFFFFFEE0] =	vst v15  }
0x14b: {  	v33 =	vadd.s32 s19, v7;
	v29 =	vadd.s32 s19, v8;
	v35 =	vadd.s32 s21, v9;
	v39 =	vld.idx.msk [tilespmem:v17+s4+$0x0], $0xffff;
	[tilespmem:s18+$0xFFFFFF50] =	vst v13  }
0x14c: {  	v31 =	vadd.s32 s22, v9;
	[tilespmem:s18+$0xFFFFFCD0] =	vst v16;
	v16 =	vadd.s32 s13, v9;
	v26 =	vld.idx.msk [tilespmem:v20+s4+$0x0], $0xffff  }
0x14d: {  	s14 =	simm.s32 $0x0;
	v10 =	vadd.s32 $0x180, v2;
	v11 =	vadd.s32 $0x180, v3;
	v14 =	vadd.s32 $0x180, v5;
	v28 =	vld.idx.msk [tilespmem:v21+s4+$0x0], $0xffff;
	[tilespmem:s18+$0xFFFFFD60] =	vst v18  }
0x14e: {  	v37 =	vadd.s32 s14, v10;
	v12 =	vadd.s32 $0x180, v4;
	v15 =	vadd.s32 $0x180, v6;
	v32 =	vld.idx.msk [tilespmem:v22+s4+$0x0], $0xffff;
	[tilespmem:s18+$0xFFFFFE70] =	vst v19;
	v22 =	vmovc v6  }
0x14f: {  	v17 =	vadd.s32 $0x180, v7;
	v13 =	vadd.s32 s20, v8;
	v38 =	vadd.s32 s14, v15;
	v30 =	vld.idx.msk [tilespmem:v27+s4+$0x0], $0xffff;
	[tilespmem:s18+$0xFFFFFFD0] =	vst v24  }
0x150: {  	v18 =	vadd.s32 $0x180, v8;
	v34 =	vadd.s32 s14, v17;
	v19 =	vadd.s32 $0x180, v9;
	[tilespmem:s18+$0xFFFFFDF0] =	vst v25;
	v33 =	vld.idx.msk [tilespmem:v33+s4+$0x0], $0xffff  }
0x151: {  	s22 =	simm.s32 $0x180;
	s21 =	simm.s32 $0x0;
	s13 =	simm.s32 $0x137F0;
	v21 =	vmovc v7;
	v20 =	vmovc v8;
	v27 =	vadd.s32 s14, v18;
	v24 =	vadd.s32 s14, v19;
	v36 =	vld.idx.msk [tilespmem:v16+s4+$0x0], $0xffff;
	[tilespmem:s18+$0xFFFFFEF0] =	vst v39;
	v16 =	vmov v9  }
.LBB2_6:
0x152: {  	s12 =	sadd.s32 $0x30, s22;
	s2 =	sadd.s32 $0xC0, s22;
	s11 =	sadd.s32 $0x120, s22;
	v39 =	vadd.s32 s14, v11;
	v40 =	vadd.s32 s14, v12;
	v25 =	vadd.s32 s14, v14;
	[tilespmem:s18+$0xFFFFFC40] =	vst v23;
	v23 =	vld.idx.msk [tilespmem:v35+s4+$0x0], $0xffff  }
0x153: {  	s15 =	sadd.s32 $0x60, s22;
	s16 =	sadd.s32 $0xF0, s22;
	s0 =	sadd.s32 $0x150, s22;
	v35 =	vadd.s32 s12, v2;
	v41 =	vadd.s32 s2, v2;
	v42 =	vadd.s32 s11, v2;
	v43 =	vld.idx.msk [tilespmem:v22+s4+$0x0], $0xffff;
	v22 =	vmovc v38  }
0x154: {  	s3 =	sadd.s32 $0x90, s22;
	s21 =	sadd.s32 $0x8, s21;
	s14 =	smov.u32 s22;
	v38 =	vadd.s32 s15, v2;
	v44 =	vadd.s32 s16, v2;
	v45 =	vadd.s32 s0, v2;
	[tilespmem:s18+$0xFFFFFD70] =	vst v32  }
0x155: {  	v46 =	vadd.s32 s3, v2;
	p0 =	slt.u32 s21, $0x38;
	v32 =	vadd.s32 s12, v8;
	v31 =	vld.idx.msk [tilespmem:v31+s4+$0x0], $0xffff;
	[tilespmem:s18+$0xFFFFFE80] =	vst v30  }
0x156: {  	v30 =	vld.idx.msk [tilespmem:v37+s4+$0x0], $0xffff;
	[tilespmem:s18+$0xFFFFFCE0] =	vst v28  }
0x157: {  	v28 =	vld.idx.msk [tilespmem:v13+s4+$0x0], $0xffff;
	[tilespmem:s18+$0xFFFFFE00] =	vst v36;
	v13 =	vmov v32  }
0x158: {  	v32 =	vld.idx.msk [tilespmem:v35+s4+$0x0], $0xffff;
	[tilespmem:s18+$0xFFFFFFE0] =	vst v33  }
0x159: {  	v33 =	vadd.s32 s20, v9;
	s20 =	smov.u32 s12;
	[tilespmem:s18+$0xFFFFFC50] =	vst v43;
	v29 =	vld.idx.msk [tilespmem:v29+s4+$0x0], $0xffff  }
0x15a: {  	v35 =	vadd.s32 s20, v3;
	v36 =	vld.idx.msk [tilespmem:v45+s4+$0x0], $0xffff;
	[tilespmem:s18+$0xFFFFFF00] =	vst v23  }
0x15b: {  	v37 =	vadd.s32 s0, v3;
	v23 =	vld.idx.msk [tilespmem:v41+s4+$0x0], $0xffff;
	[tilespmem:s18+$0xFFFFFD80] =	vst v31  }
0x15c: {  	[tilespmem:s13+$0xFFFFFC10] =	vst v30;
	v30 =	vadd.s32 s2, v3;
	v31 =	vld.idx.msk [tilespmem:v21+s4+$0x0], $0xffff;
	v21 =	vmov v34  }
0x15d: {  	v41 =	vadd.s32 s16, v3;
	v34 =	vld.idx.msk [tilespmem:v46+s4+$0x0], $0xffff;
	[tilespmem:s18+$0xFFFFFCF0] =	vst v28  }
0x15e: {  	[tilespmem:s13+$0xFFFFFC90] =	vst v32;
	v28 =	vld.idx.msk [tilespmem:v33+s4+$0x0], $0xffff  }
0x15f: {  	v32 =	vadd.s32 s15, v3;
	v33 =	vld.idx.msk [tilespmem:v44+s4+$0x0], $0xffff;
	[tilespmem:s18+$0xFFFFFFF0] =	vst v29  }
0x160: {  	v29 =	vld.idx.msk [tilespmem:v38+s4+$0x0], $0xffff;
	v38 =	vadd.s32 s3, v3;
	[tilespmem:s13+$0xFFFFFF90] =	vst v36;
	v36 =	vadd.s32 s19, v9;
	s19 =	smov.u32 s0  }
0x161: {  	v43 =	vadd.s32 s20, v4;
	v39 =	vld.idx.msk [tilespmem:v39+s4+$0x0], $0xffff;
	[tilespmem:s13+$0xFFFFFE10] =	vst v23  }
0x162: {  	v23 =	vld.idx.msk [tilespmem:v35+s4+$0x0], $0xffff;
	v35 =	vadd.s32 s19, v4;
	[tilespmem:s18+$0xFFFFFC60] =	vst v31  }
0x163: {  	v31 =	vadd.s32 s2, v4;
	v30 =	vld.idx.msk [tilespmem:v30+s4+$0x0], $0xffff;
	[tilespmem:s18+$0xFFFFFF60] =	vst v26  }
0x164: {  	v26 =	vadd.s32 s16, v4;
	v42 =	vld.idx.msk [tilespmem:v42+s4+$0x0], $0xffff;
	[tilespmem:s18+$0xFFFFFD00] =	vst v28  }
0x165: {  	v28 =	vadd.s32 s11, v3;
	[tilespmem:s13+$0xFFFFFE90] =	vst v33;
	v33 =	vadd.s32 s9, v8;
	v36 =	vld.idx.msk [tilespmem:v36+s4+$0x0], $0xffff  }
0x166: {  	v44 =	vadd.s32 s15, v4;
	[tilespmem:s13+$0xFFFFFD90] =	vst v34;
	v34 =	vld.idx.msk [tilespmem:v41+s4+$0x0], $0xffff  }
0x167: {  	[tilespmem:s13+$0xFFFFFC20] =	vst v39;
	v38 =	vld.idx.msk [tilespmem:v38+s4+$0x0], $0xffff;
	v39 =	vadd.s32 s3, v4  }
0x168: {  	[tilespmem:s13+$0xFFFFFCA0] =	vst v23;
	v23 =	vld.idx.msk [tilespmem:v37+s4+$0x0], $0xffff  }
0x169: {  	v37 =	vld.idx.msk [tilespmem:v40+s4+$0x0], $0xffff;
	[tilespmem:s13+$0xFFFFFE20] =	vst v30  }
0x16a: {  	[tilespmem:s13+$0xFFFFFF10] =	vst v42;
	v30 =	vld.idx.msk [tilespmem:v33+s4+$0x0], $0xffff  }
0x16b: {  	[tilespmem:s13+$0xFFFFFD10] =	vst v29;
	v29 =	vld.idx.msk [tilespmem:v31+s4+$0x0], $0xffff  }
0x16c: {  	v31 =	vld.idx.msk [tilespmem:v32+s4+$0x0], $0xffff;
	[tilespmem:s13+$0xFFFFFEA0] =	vst v34;
	v32 =	vadd.s32 s9, v9;
	s9 =	smov.u32 s11  }
0x16d: {  	v33 =	vadd.s32 s2, v5;
	[tilespmem:s13+$0xFFFFFDA0] =	vst v38;
	v34 =	vld.idx.msk [tilespmem:v20+s4+$0x0], $0xffff;
	v20 =	vmov v27  }
0x16e: {  	v27 =	vld.idx.msk [tilespmem:v39+s4+$0x0], $0xffff;
	[tilespmem:s13+$0xFFFFFFA0] =	vst v23  }
0x16f: {  	[tilespmem:s13+$0xFFFFFC30] =	vst v37;
	v23 =	vld.idx.msk [tilespmem:v26+s4+$0x0], $0xffff  }
0x170: {  	v26 =	vadd.s32 s3, v5;
	v28 =	vld.idx.msk [tilespmem:v28+s4+$0x0], $0xffff;
	[tilespmem:s18+$0xFFFFFF70] =	vst v30  }
0x171: {  	[tilespmem:s13+$0xFFFFFE30] =	vst v29;
	v29 =	vadd.s32 s16, v5;
	v30 =	vld.idx.msk [tilespmem:v32+s4+$0x0], $0xffff  }
0x172: {  	[tilespmem:s13+$0xFFFFFD20] =	vst v31;
	v31 =	vld.idx.msk [tilespmem:v33+s4+$0x0], $0xffff  }
0x173: {  	v33 =	vadd.s32 s9, v4;
	v32 =	vld.idx.msk [tilespmem:v44+s4+$0x0], $0xffff;
	[tilespmem:s18+$0xFFFFFC70] =	vst v34  }
0x174: {  	[tilespmem:s13+$0xFFFFFDB0] =	vst v27;
	v27 =	vld.idx.msk [tilespmem:v16+s4+$0x0], $0xffff;
	v16 =	vmov v24  }
0x175: {  	v24 =	vadd.s32 s15, v5;
	v26 =	vld.idx.msk [tilespmem:v26+s4+$0x0], $0xffff;
	[tilespmem:s13+$0xFFFFFEB0] =	vst v23  }
0x176: {  	v34 =	vadd.s32 s2, v6;
	v29 =	vld.idx.msk [tilespmem:v29+s4+$0x0], $0xffff;
	[tilespmem:s13+$0xFFFFFF20] =	vst v28  }
0x177: {  	v28 =	vld.idx.msk [tilespmem:v43+s4+$0x0], $0xffff;
	[tilespmem:s18+$0xFFFFFF80] =	vst v30  }
0x178: {  	v30 =	vadd.s32 s3, v6;
	v33 =	vld.idx.msk [tilespmem:v33+s4+$0x0], $0xffff;
	[tilespmem:s18+$0x0] =	vst v36  }
0x179: {  	v23 =	vld.idx.msk [tilespmem:v25+s4+$0x0], $0xffff;
	[tilespmem:s13+$0xFFFFFD30] =	vst v32;
	v25 =	vadd.s32 s16, v6  }
0x17a: {  	v24 =	vld.idx.msk [tilespmem:v24+s4+$0x0], $0xffff;
	[tilespmem:s13+$0xFFFFFE40] =	vst v31;
	v31 =	vadd.s32 s9, v5  }
0x17b: {  	v32 =	vadd.s32 s20, v5;
	v34 =	vld.idx.msk [tilespmem:v34+s4+$0x0], $0xffff;
	[tilespmem:s18+$0xFFFFFC80] =	vst v27;
	s18 =	smov.u32 s13  }
0x17c: {  	v27 =	vadd.s32 s15, v6;
	[tilespmem:s13+$0xFFFFFDC0] =	vst v26;
	v26 =	vld.idx.msk [tilespmem:v35+s4+$0x0], $0xffff  }
0x17d: {  	v35 =	vadd.s32 s2, v7;
	v30 =	vld.idx.msk [tilespmem:v30+s4+$0x0], $0xffff;
	[tilespmem:s13+$0xFFFFFEC0] =	vst v29  }
0x17e: {  	v29 =	vadd.s32 s19, v5;
	v25 =	vld.idx.msk [tilespmem:v25+s4+$0x0], $0xffff;
	[tilespmem:s13+$0xFFFFFF30] =	vst v33  }
0x17f: {  	[tilespmem:s13+$0xFFFFFCB0] =	vst v28;
	v28 =	vadd.s32 s3, v7;
	v31 =	vld.idx.msk [tilespmem:v31+s4+$0x0], $0xffff  }
0x180: {  	v32 =	vld.idx.msk [tilespmem:v32+s4+$0x0], $0xffff;
	[tilespmem:s13+$0xFFFFFD40] =	vst v24;
	v24 =	vadd.s32 s16, v7  }
0x181: {  	v33 =	vadd.s32 s9, v6;
	v27 =	vld.idx.msk [tilespmem:v27+s4+$0x0], $0xffff;
	[tilespmem:s13+$0xFFFFFE50] =	vst v34  }
0x182: {  	v34 =	vadd.s32 s20, v6;
	v35 =	vld.idx.msk [tilespmem:v35+s4+$0x0], $0xffff;
	[tilespmem:s13+$0xFFFFFFB0] =	vst v26  }
0x183: {  	v26 =	vadd.s32 s15, v7;
	[tilespmem:s13+$0xFFFFFDD0] =	vst v30;
	v29 =	vld.idx.msk [tilespmem:v29+s4+$0x0], $0xffff  }
0x184: {  	v30 =	vadd.s32 s2, v8;
	v28 =	vld.idx.msk [tilespmem:v28+s4+$0x0], $0xffff;
	[tilespmem:s13+$0xFFFFFED0] =	vst v25  }
0x185: {  	v25 =	vadd.s32 s19, v6;
	v24 =	vld.idx.msk [tilespmem:v24+s4+$0x0], $0xffff;
	[tilespmem:s13+$0xFFFFFF40] =	vst v31  }
0x186: {  	v31 =	vadd.s32 s3, v8;
	[tilespmem:s13+$0xFFFFFCC0] =	vst v32;
	v32 =	vld.idx.msk [tilespmem:v33+s4+$0x0], $0xffff  }
0x187: {  	v33 =	vld.idx.msk [tilespmem:v34+s4+$0x0], $0xffff;
	[tilespmem:s13+$0xFFFFFD50] =	vst v27;
	v27 =	vadd.s32 s16, v8  }
0x188: {  	v34 =	vld.idx.msk [tilespmem:v26+s4+$0x0], $0xffff;
	[tilespmem:s13+$0xFFFFFE60] =	vst v35;
	v26 =	vadd.s32 s9, v7  }
0x189: {  	v35 =	vadd.s32 s20, v7;
	v30 =	vld.idx.msk [tilespmem:v30+s4+$0x0], $0xffff;
	[tilespmem:s13+$0xFFFFFFC0] =	vst v29  }
0x18a: {  	v29 =	vadd.s32 s15, v8;
	[tilespmem:s13+$0xFFFFFDE0] =	vst v28;
	v25 =	vld.idx.msk [tilespmem:v25+s4+$0x0], $0xffff  }
0x18b: {  	v36 =	vld.idx.msk [tilespmem:v31+s4+$0x0], $0xffff;
	v31 =	vadd.s32 s2, v9;
	[tilespmem:s13+$0xFFFFFEE0] =	vst v24  }
0x18c: {  	v37 =	vadd.s32 s19, v7;
	v39 =	vld.idx.msk [tilespmem:v27+s4+$0x0], $0xffff;
	[tilespmem:s13+$0xFFFFFF50] =	vst v32  }
0x18d: {  	v40 =	vadd.s32 s3, v9;
	[tilespmem:s13+$0xFFFFFCD0] =	vst v33;
	v26 =	vld.idx.msk [tilespmem:v26+s4+$0x0], $0xffff  }
.Ltmp1:
0x18e: {  	v28 =	vld.idx.msk [tilespmem:v35+s4+$0x0], $0xffff;
	[tilespmem:s13+$0xFFFFFD60] =	vst v34;
	v35 =	vadd.s32 s16, v9;
	(pc) =	sbr.rel @p0 .LBB2_6-.Ltmp1, $4  }
0x18f: {  	v32 =	vld.idx.msk [tilespmem:v29+s4+$0x0], $0xffff;
	[tilespmem:s13+$0xFFFFFE70] =	vst v30  }
0x190: {  	v29 =	vadd.s32 s19, v8;
	v30 =	vld.idx.msk [tilespmem:v31+s4+$0x0], $0xffff;
	[tilespmem:s13+$0xFFFFFFD0] =	vst v25  }
0x191: {  	v24 =	vadd.s32 s22, v19;
	v27 =	vadd.s32 s22, v18;
	v31 =	vadd.s32 s15, v9;
	[tilespmem:s13+$0xFFFFFDF0] =	vst v36;
	v33 =	vld.idx.msk [tilespmem:v37+s4+$0x0], $0xffff  }
0x192: {  	v38 =	vadd.s32 s14, v15;
	s22 =	sadd.s32 $0x180, s22;
	v34 =	vadd.s32 s14, v17;
	v37 =	vadd.s32 s14, v10;
	s13 =	sadd.s32 $0x400, s13;
	v36 =	vld.idx.msk [tilespmem:v40+s4+$0x0], $0xffff;
	[tilespmem:s18+$0xFFFFFEF0] =	vst v39  }
0x193: {  	_ =	sdelay $0x2  }
0x194: {  	[tilespmem:s18+$0xFFFFFC40] =	vst v23  }
0x195: {  	v2 =	vld.idx.msk [tilespmem:v22+s4+$0x0], $0xffff;
	_ =	sdelay $0x4  }
0x196: {  	[tilespmem:s18+$0xFFFFFC50] =	vst v2;
	v2 =	vadd.s32 s9, v8  }
0x197: {  	v3 =	vld.idx.msk [tilespmem:v21+s4+$0x0], $0xffff  }
0x198: {  	[tilespmem:s18+$0xFFFFFCE0] =	vst v28  }
0x199: {  	[tilespmem:s18+$0xFFFFFF60] =	vst v26  }
0x19a: {  	[tilespmem:s18+$0xFFFFFD70] =	vst v32;
	v4 =	vld.idx.msk [tilespmem:v13+s4+$0x0], $0xffff  }
0x19b: {  	v5 =	vadd.s32 s20, v9;
	[tilespmem:s18+$0xFFFFFFE0] =	vst v33;
	v2 =	vld.idx.msk [tilespmem:v2+s4+$0x0], $0xffff  }
0x19c: {  	v6 =	vld.idx.msk [tilespmem:v29+s4+$0x0], $0xffff;
	[tilespmem:s18+$0xFFFFFC60] =	vst v3;
	v3 =	vadd.s32 s9, v9  }
0x19d: {  	v7 =	vadd.s32 s19, v9;
	[tilespmem:s18+$0xFFFFFE80] =	vst v30;
	v61 =	vld.idx.msk [tilespmem:v20+s4+$0x0], $0xffff  }
0x19e: {  	v62 =	vld.idx.msk [tilespmem:v35+s4+$0x0], $0xffff;
	[tilespmem:s18+$0xFFFFFE00] =	vst v36  }
0x19f: {  	v10 =	vld.idx.msk [tilespmem:v31+s4+$0x0], $0xffff;
	[tilespmem:s18+$0xFFFFFCF0] =	vst v4  }
0x1a0: {  	v4 =	vld.idx.msk [tilespmem:v5+s4+$0x0], $0xffff;
	[tilespmem:s18+$0xFFFFFF70] =	vst v2  }
0x1a1: {  	[tilespmem:s18+$0xFFFFFFF0] =	vst v6;
	v2 =	vld.idx.msk [tilespmem:v3+s4+$0x0], $0xffff  }
0x1a2: {  	v3 =	vld.idx.msk [tilespmem:v7+s4+$0x0], $0xffff;
	[tilespmem:s18+$0xFFFFFC70] =	vst v61  }
0x1a3: {  	[tilespmem:s18+$0xFFFFFF00] =	vst v62;
	v63 =	vld.idx.msk [tilespmem:v16+s4+$0x0], $0xffff  }
0x1a4: {  	[tilespmem:s18+$0xFFFFFD80] =	vst v10  }
0x1a5: {  	s0 =	sshll.u32 s8, $0x12;
	[tilespmem:s18+$0xFFFFFD00] =	vst v4  }
0x1a6: {  	s2 =	rddreg [dreg:$0x1];
	s3 =	simm.s32 $0x8000;
	s0 =	sadd.s32 s1, s0;
	[tilespmem:s18+$0xFFFFFF80] =	vst v2  }
0x1a7: {  	s19 =	simm.s32 $0x13000;
	s20 =	sshll.u32 s8, $0x7;
	s0 =	sshrl.u32 s0, $0x3;
	[tilespmem:s18+$0x0] =	vst v3  }
0x1a8: {  	s6 =	sadd.s32 $0x1, s6;
	s0 =	sadd.s32 s2, s0;
	[tilespmem:s18+$0xFFFFFC80] =	vst v63;
	s18 =	simm.s32 $0x400  }
0x1a9: {  	[hbm4b:s0+s18] =	stream.strided.scatter [tilespmem:s19], [sflag:$0x2], $0x2000, s3, s18, $0x38;
	[tilespmem:$0x15100] =	vst v63  }
0x1aa: {  	p0 =	sne.s32 s6, $0xA;
	s0 =	sand.u32 $0x380, s20  }
.Ltmp2:
0x1ab: {  	s0 =	sor.u32 s0, s7;
	(pc) =	sbr.rel @p0 .LBB2_3-.Ltmp2, $4  }
0x1ac: {  	s0 =	sor.u32 s17, s0  }
0x1ad: {  	s21 =	rddreg [dreg:$0x2];
	s0 =	sshrl.u32 s0, $0x3  }
0x1ae: {  	s22 =	simm.s32 $0x15080;
	s0 =	sadd.s32 s21, s0  }
0x1af: {  	[hbm4b:s0+s4] =	stream.linear.scatter [tilespmem:s22], [sflag:$0x4], $0x80, $0x38;
	[tilespmem:$0x15100] =	vst v63  }
0x1b0: {  	s2 =	rddreg [dreg:$0x8]  }
0x1b1: {  	s2 =	sadd.s32 $0x1, s2  }
0x1b2: {  	p0 =	sne.s32 s2, $0x1A  }
.Ltmp3:
0x1b3: {  	_ = 	snop;
	(pc) =	sbr.rel @p0 .LBB2_2-.Ltmp3, $1  }
0x1b4: {  	_ =	sdelay $0x3  }
0x1b5: {  	s0 =	simm.s32 $0x1  }
0x1b6: {  	_ =	swait.ge [sflag:s0], $0x2000  }
0x1b7: {  	[sflag:s0] =	ssyncset.done $0x0  }
0x1b8: {  	s29 =	simm.s32 $0x2;
	[sflag:s0] =	ssyncadd.s32 $0xFFFFE000  }
0x1b9: {  	_ =	swait.ge [sflag:s29], $0x2000  }
0x1ba: {  	[sflag:s29] =	ssyncset.done $0x0  }
0x1bb: {  	s30 =	simm.s32 $0x3;
	[sflag:s29] =	ssyncadd.s32 $0xFFFFE000  }
0x1bc: {  	_ =	swait.ge [sflag:s30], $0x80  }
0x1bd: {  	[sflag:s30] =	ssyncset.done $0x0  }
0x1be: {  	s1 =	simm.s32 $0x4;
	[sflag:s30] =	ssyncadd.s32 $0xFFFFFF80  }
0x1bf: {  	_ =	swait.ge [sflag:s1], $0x80  }
0x1c0: {  	s2 =	rddreg [dreg:$0x7]  }
0x1c1: {  	s31 =	rddreg [dreg:$0x6];
	s2 =	sadd.s32 $0x1, s2  }
0x1c2: {  	p0 =	sne.s32 s2, s31  }
.Ltmp4:
0x1c3: {  	_ = 	snop;
	(pc) =	sbr.rel @p0 .LBB2_1-.Ltmp4, $3  }
0x1c4: {  	_ =	sdelay $0x1  }
0x1c5: {  	[sflag:s1] =	ssyncset.done $0x0  }
0x1c6: {  	[sflag:s1] =	ssyncadd.s32 $0xFFFFFF80  }
0x1c7: {  	_ =	sfence.sel $0x180000  }
0x1c8: {  	[bflag:$0x0] =	sbarrier.arrive $0xFFFF  }
0x1c9: {  	_ =	strace $0x90000047  }
0x1ca: {  	s0 =	stileid.u32;
	[bflag:$0x2] =	sbarrier.arrive $0xFFFF  }
0x1cb: {  	p0 =	sne.s32 s0, $0x0;
	s0 =	rddreg [dreg:$0x3]  }
0x1cc: {  	s0 =	sadd.s32 @!p0 $0x100000, s0  }
0x1cd: {  	[sflag:s0] =	ssyncadd.tile.s32 @!p0 $0x1;
	_ =	shalt  }
.Lfunc_end2:
_tile_overlayer_lowered:
.L_overlay_start_2:
0x1ce: {  	(tag) =	ssettag $0x2  }
0x1cf: {  	s0 =	rddreg [dreg:$0x0];
	s2 =	stileid.u32  }
0x1d0: {  	s1 =	rddreg [dreg:$0x1];
	p0 =	sne.s32 s2, $0x0  }
0x1d1: {  	s3 =	rddreg [dreg:$0x2];
	[bflag:$0x3] =	sbarrier.arrive $0xFFFF;
	s2 =	simm.s32 @!p0 $0x1C05  }
0x1d2: {  	[timem:s3], [sflag:s2] =	dma.local @!p0 [hbm:s0], s1  }
0x1d3: {  	s0 =	simm.s32 @!p0 $0x5  }
0x1d4: {  	_ =	swait.ge @!p0 [sflag:s0], s1  }
0x1d5: {  	s1 =	ssub.s32 @!p0 $0x0, s1;
	[sflag:s0] =	ssyncset.done @!p0 $0x0  }
0x1d6: {  	[sflag:s0] =	ssyncadd.s32 @!p0 s1  }
0x1d7: {  	[bflag:$0x3] =	sbarrier.arrive $0xFFFF  }
0x1d8: {  	_ =	shalt  }

</sc_bundles>
